<compile_context>
chip_gen: v7x
topology: tpu7x:2x2x1
jax: 0.10.2.dev20260603
libtpu: 0.0.44.dev20260713+nightly
codegen_flags: <defaults>
</compile_context>

<pallas_src>
import jax
import jax.numpy as jnp
from jax.experimental import pallas as pl
from jax.experimental.pallas import tpu as pltpu

B, N, H, W = 16, 512, 128, 128
HW = H * W
D_ENT_IN, D_EMB = 128, 256
D_SCATTER = 32
C_SPATIAL = 64


def _entity_kernel(num_ref, ef_ref, went_ref, wproj_ref, w1_ref,
                   ee_ref, ment_ref, q_ref):
    b = pl.program_id(0)
    ef = ef_ref[0]
    ee = jax.nn.relu(jnp.dot(ef, went_ref[...],
                             preferred_element_type=jnp.float32))
    ee_ref[0] = ee
    num = num_ref[b]
    iota = jax.lax.broadcasted_iota(jnp.int32, (N, 1), 0)
    maskf = (iota < num).astype(jnp.float32)
    denom = jnp.maximum(num, 1).astype(jnp.float32)
    ment_ref[0, 0] = (ee * maskf).sum(axis=0) / denom
    proj = jax.nn.relu(jnp.dot(ee, wproj_ref[...],
                               preferred_element_type=jnp.float32)) * maskf
    q_ref[0] = jnp.dot(proj, w1_ref[...], preferred_element_type=jnp.float32)


def _spatial_kernel(idx_ref, h_ref, q_ref, w0_ref, map_ref, pool_ref):
    b = pl.program_id(0)
    h2t = h_ref[0].T
    w0v = w0_ref[...]
    for y in range(H):
        col = jax.lax.slice(h2t, (0, y), (W, y + 1))
        map_ref[y * W:(y + 1) * W, :] = col * w0v

    def body(e, carry):
        i = idx_ref[b, e]
        row = map_ref[pl.ds(i, 1), :]
        map_ref[pl.ds(i, 1), :] = row + q_ref[0, pl.ds(e, 1), :]
        return carry

    jax.lax.fori_loop(0, N, body, 0, unroll=8)
    out = jax.nn.relu(map_ref[...])
    map_ref[...] = out
    pool_ref[...] = out.sum(axis=0).reshape(1, 1, C_SPATIAL)


def _head_kernel(sf_ref, wsc_ref, wctx_ref, wbase_ref,
                 ment_ref, wee_ref, pool_ref, wsp_ref,
                 lstm_ref, ctx_ref, base_ref):
    es = jax.nn.relu(jnp.dot(sf_ref[...], wsc_ref[...],
                             preferred_element_type=jnp.float32))
    ctx_ref[...] = jax.nn.relu(jnp.dot(es, wctx_ref[...],
                                       preferred_element_type=jnp.float32))
    base_ref[...] = jax.nn.relu(jnp.dot(es, wbase_ref[...],
                                        preferred_element_type=jnp.float32))
    eent = jax.nn.relu(jnp.dot(ment_ref[...], wee_ref[...],
                               preferred_element_type=jnp.float32))
    pooled = pool_ref[...] / float(HW)
    esp = jax.nn.relu(jnp.dot(pooled, wsp_ref[...],
                              preferred_element_type=jnp.float32))
    lstm_ref[:, 0:256] = es
    lstm_ref[:, 256:512] = eent
    lstm_ref[:, 512:768] = esp


def kernel(spatial_height_map, entity_features, scalar_features, entity_x,
           entity_y, entity_num, W_scalar, W_ctx, W_base, W_ent, W_ent_emb,
           W_proj, W_spatial, W_sp_emb):
    x3 = entity_x.astype(jnp.int32).reshape(B, 1, N)
    y3 = entity_y.astype(jnp.int32).reshape(B, 1, N)
    num = entity_num.astype(jnp.int32)
    w0 = W_spatial[0:1, :]
    w1 = W_spatial[1:, :]

    ee, ment, q = pl.pallas_call(
        _entity_kernel,
        grid_spec=pltpu.PrefetchScalarGridSpec(
            num_scalar_prefetch=1,
            grid=(B,),
            in_specs=[
                pl.BlockSpec((1, N, D_ENT_IN), lambda b, *_: (b, 0, 0)),
                pl.BlockSpec((D_ENT_IN, D_EMB), lambda b, *_: (0, 0)),
                pl.BlockSpec((D_EMB, D_SCATTER), lambda b, *_: (0, 0)),
                pl.BlockSpec((D_SCATTER, C_SPATIAL), lambda b, *_: (0, 0)),
            ],
            out_specs=[
                pl.BlockSpec((1, N, D_EMB), lambda b, *_: (b, 0, 0)),
                pl.BlockSpec((1, 1, D_EMB), lambda b, *_: (b, 0, 0)),
                pl.BlockSpec((1, N, C_SPATIAL), lambda b, *_: (b, 0, 0)),
            ],
        ),
        out_shape=[
            jax.ShapeDtypeStruct((B, N, D_EMB), jnp.float32),
            jax.ShapeDtypeStruct((B, 1, D_EMB), jnp.float32),
            jax.ShapeDtypeStruct((B, N, C_SPATIAL), jnp.float32),
        ],
    )(num, entity_features, W_ent, W_proj, w1)

    fidx = (y3 * W + x3).reshape(B, N)

    map_flat, pool_sum = pl.pallas_call(
        _spatial_kernel,
        grid_spec=pltpu.PrefetchScalarGridSpec(
            num_scalar_prefetch=1,
            grid=(B,),
            in_specs=[
                pl.BlockSpec((1, H, W), lambda b, *_: (b, 0, 0)),
                pl.BlockSpec((1, N, C_SPATIAL), lambda b, *_: (b, 0, 0)),
                pl.BlockSpec((1, C_SPATIAL), lambda b, *_: (0, 0)),
            ],
            out_specs=[
                pl.BlockSpec((HW, C_SPATIAL), lambda b, *_: (b, 0)),
                pl.BlockSpec((1, 1, C_SPATIAL), lambda b, *_: (b, 0, 0)),
            ],
        ),
        out_shape=[
            jax.ShapeDtypeStruct((B * HW, C_SPATIAL), jnp.float32),
            jax.ShapeDtypeStruct((B, 1, C_SPATIAL), jnp.float32),
        ],
    )(fidx, spatial_height_map, q, w0)
    map_skip = map_flat.reshape(B, H, W, C_SPATIAL)

    lstm_input, scalar_context, baseline_feature = pl.pallas_call(
        _head_kernel,
        in_specs=[
            pl.BlockSpec((B, 256), lambda: (0, 0)),
            pl.BlockSpec((256, 256), lambda: (0, 0)),
            pl.BlockSpec((256, 128), lambda: (0, 0)),
            pl.BlockSpec((256, 64), lambda: (0, 0)),
            pl.BlockSpec((B, D_EMB), lambda: (0, 0)),
            pl.BlockSpec((D_EMB, D_EMB), lambda: (0, 0)),
            pl.BlockSpec((B, C_SPATIAL), lambda: (0, 0)),
            pl.BlockSpec((C_SPATIAL, 256), lambda: (0, 0)),
        ],
        out_specs=[
            pl.BlockSpec((B, 768), lambda: (0, 0)),
            pl.BlockSpec((B, 128), lambda: (0, 0)),
            pl.BlockSpec((B, 64), lambda: (0, 0)),
        ],
        out_shape=[
            jax.ShapeDtypeStruct((B, 768), jnp.float32),
            jax.ShapeDtypeStruct((B, 128), jnp.float32),
            jax.ShapeDtypeStruct((B, 64), jnp.float32),
        ],
    )(scalar_features, W_scalar, W_ctx, W_base,
      ment.reshape(B, D_EMB), W_ent_emb, pool_sum.reshape(B, C_SPATIAL),
      W_sp_emb)

    return (lstm_input, scalar_context, baseline_feature, ee, map_skip)

# --- scband reference (transcript-rebuilt; emitter-appended) ---
"""Pipeline reference for scband-encoder-88235808129468 (READ-ONLY COPY).

The authoritative reference and input builder live on the scoring server;
editing this copy changes nothing except your own understanding.
"""

import jax, jax.numpy as jnp
import numpy as np

B, N, H, W = 16, 512, 128, 128
D_ENT_IN, D_EMB = 128, 256
D_SCALAR_IN, D_SCALAR = 256, 256
D_CTX, D_BASE = 128, 64
D_SCATTER = 32
C_SPATIAL, D_SPATIAL = 64, 256


def setup_inputs(seed: int = 0) -> dict:
    key = jax.random.key(seed)
    ks = jax.random.split(key, 16)
    inp = {}
    inp['spatial_height_map'] = jax.random.normal(ks[0], (B, H, W), dtype=jnp.float32)
    inp['entity_features'] = jax.random.normal(ks[1], (B, N, D_ENT_IN), dtype=jnp.float32)
    inp['scalar_features'] = jax.random.normal(ks[2], (B, D_SCALAR_IN), dtype=jnp.float32)
    inp['entity_x'] = jax.random.randint(ks[3], (B, N), 0, W)
    inp['entity_y'] = jax.random.randint(ks[4], (B, N), 0, H)
    inp['entity_num'] = jax.random.randint(ks[5], (B,), 1, N + 1)
    # learned parameters
    inp['W_scalar'] = jax.random.normal(ks[6], (D_SCALAR_IN, D_SCALAR), dtype=jnp.float32) * 0.02
    inp['W_ctx'] = jax.random.normal(ks[7], (D_SCALAR, D_CTX), dtype=jnp.float32) * 0.02
    inp['W_base'] = jax.random.normal(ks[8], (D_SCALAR, D_BASE), dtype=jnp.float32) * 0.02
    inp['W_ent'] = jax.random.normal(ks[9], (D_ENT_IN, D_EMB), dtype=jnp.float32) * 0.02
    inp['W_ent_emb'] = jax.random.normal(ks[10], (D_EMB, D_EMB), dtype=jnp.float32) * 0.02
    inp['W_proj'] = jax.random.normal(ks[11], (D_EMB, D_SCATTER), dtype=jnp.float32) * 0.02
    inp['W_spatial'] = jax.random.normal(ks[12], (1 + D_SCATTER, C_SPATIAL), dtype=jnp.float32) * 0.02
    inp['W_sp_emb'] = jax.random.normal(ks[13], (C_SPATIAL, D_SPATIAL), dtype=jnp.float32) * 0.02
    return inp


def reference(spatial_height_map, entity_features, scalar_features, entity_x, entity_y, entity_num,
              W_scalar, W_ctx, W_base, W_ent, W_ent_emb, W_proj, W_spatial, W_sp_emb):
    # ---- scalar encoder ----
    embedded_scalar = jax.nn.relu(scalar_features @ W_scalar)            # [B, 256]
    scalar_context = jax.nn.relu(embedded_scalar @ W_ctx)               # [B, 128]
    baseline_feature = jax.nn.relu(embedded_scalar @ W_base)            # [B, 64]
    # ---- entity encoder ----
    entity_embeddings = jax.nn.relu(entity_features @ W_ent)            # [B, N, 256]
    entity_mask = (jnp.arange(N)[None, :] < entity_num[:, None]).astype(jnp.float32)  # [B, N]
    denom = jnp.maximum(entity_num, 1).astype(jnp.float32)[:, None]
    mean_ent = (entity_embeddings * entity_mask[:, :, None]).sum(axis=1) / denom
    embedded_entity = jax.nn.relu(mean_ent @ W_ent_emb)                 # [B, 256]
    # ---- scatter projection + scatter connection (scatter-add onto map) ----
    project_embeddings = jax.nn.relu(entity_embeddings @ W_proj)        # [B, N, 32]
    project_embeddings = project_embeddings * entity_mask[:, :, None]
    flat_idx = (entity_y * W + entity_x + jnp.arange(B)[:, None] * (H * W)).reshape(-1)
    scatter_map = jnp.zeros((B * H * W, D_SCATTER), jnp.float32).at[flat_idx].add(
        project_embeddings.reshape(-1, D_SCATTER))
    scatter_map = scatter_map.reshape(B, H, W, D_SCATTER)
    # ---- spatial encoder (1x1 conv as per-pixel fc) ----
    spatial_in = jnp.concatenate([spatial_height_map[..., None], scatter_map], axis=-1)  # [B,H,W,33]
    map_skip = jax.nn.relu(spatial_in @ W_spatial)                      # [B,H,W,64]
    pooled = map_skip.mean(axis=(1, 2))                                 # [B, 64]
    embedded_spatial = jax.nn.relu(pooled @ W_sp_emb)                   # [B, 256]
    # ---- fuse ----
    lstm_input = jnp.concatenate([embedded_scalar, embedded_entity, embedded_spatial], axis=-1)  # [B, 768]
    return (lstm_input, scalar_context, baseline_feature, entity_embeddings, map_skip)

if __name__ == "__main__":
    import jax
    _d = setup_inputs()
    print(jax.jit(kernel)(*tuple(_d.values())))

</pallas_src>

<mosaic_0001>
module attributes {stable_mosaic.version = 14 : i64} {
  func.func @_spatial_kernel(%arg0: i32, %arg1: memref<16x512xi32, #tpu.memory_space<smem>>, %arg2: memref<1x128x128xf32, #tpu.memory_space<vmem>>, %arg3: memref<1x512x64xf32, #tpu.memory_space<vmem>>, %arg4: memref<1x64xf32, #tpu.memory_space<vmem>>, %arg5: memref<16384x64xf32, #tpu.memory_space<vmem>>, %arg6: memref<1x1x64xf32, #tpu.memory_space<vmem>>) attributes {dimension_semantics = [#tpu.dimension_semantics<arbitrary>], iteration_bounds = array<i64: 16>, scalar_prefetch = 1 : i64, scratch_operands = 0 : i64, tpu.core_type = #tpu.core_type<tc>, window_params = [{transform_indices = @transform_0, window_bounds = array<i64: 1, 128, 128>}, {transform_indices = @transform_1, window_bounds = array<i64: 1, 512, 64>}, {pipeline_mode = #tpu.pipeline_mode<synchronous>, transform_indices = @transform_2, window_bounds = array<i64: 1, 64>}, {transform_indices = @transform_3, window_bounds = array<i64: 16384, 64>}, {transform_indices = @transform_4, window_bounds = array<i64: 1, 1, 64>}]} {
    %get3A = arith.constant 0 : index
    %get3A_0 = arith.constant 0 : index
    %get3A_1 = arith.constant 0 : index
    %get3A_2 = vector.load %arg2[%get3A, %get3A_0, %get3A_1] : memref<1x128x128xf32, #tpu.memory_space<vmem>>, vector<1x128x128xf32>
    %get3A_3 = vector.shape_cast %get3A_2 : vector<1x128x128xf32> to vector<128x128xf32>
    %transpose3A = tpu.transpose %get3A_3, [1, 0] : vector<128x128xf32> -> vector<128x128xf32>
    %get3A_4 = arith.constant 0 : index
    %get3A_5 = arith.constant 0 : index
    %get3A_6 = vector.load %arg4[%get3A_4, %get3A_5] : memref<1x64xf32, #tpu.memory_space<vmem>>, vector<1x64xf32>
    %slice3A = vector.extract_strided_slice %transpose3A {offsets = [0, 0], sizes = [128, 1], strides = [1, 1]} : vector<128x128xf32> to vector<128x1xf32>
    %mul3A = vector.broadcast %slice3A : vector<128x1xf32> to vector<128x64xf32>
    %mul3A_7 = vector.broadcast %get3A_6 : vector<1x64xf32> to vector<128x64xf32>
    %mul3A_8 = arith.mulf %mul3A, %mul3A_7 : vector<128x64xf32>
    %swap3A = arith.constant 0 : index
    %swap3A_9 = arith.constant 0 : index
    %swap3A_10 = vector.load %arg5[%swap3A, %swap3A_9] : memref<16384x64xf32, #tpu.memory_space<vmem>>, vector<128x64xf32>
    tpu.vector_store %arg5[%swap3A, %swap3A_9], %mul3A_8 {strides = array<i32>} : memref<16384x64xf32, #tpu.memory_space<vmem>>, vector<128x64xf32>,
    %slice3A_11 = vector.extract_strided_slice %transpose3A {offsets = [0, 1], sizes = [128, 1], strides = [1, 1]} : vector<128x128xf32> to vector<128x1xf32>
    %mul3A_12 = vector.broadcast %slice3A_11 : vector<128x1xf32> to vector<128x64xf32>
    %mul3A_13 = vector.broadcast %get3A_6 : vector<1x64xf32> to vector<128x64xf32>
    %mul3A_14 = arith.mulf %mul3A_12, %mul3A_13 : vector<128x64xf32>
    %swap3A_15 = arith.constant 128 : index
    %swap3A_16 = arith.constant 0 : index
    %swap3A_17 = vector.load %arg5[%swap3A_15, %swap3A_16] : memref<16384x64xf32, #tpu.memory_space<vmem>>, vector<128x64xf32>
    tpu.vector_store %arg5[%swap3A_15, %swap3A_16], %mul3A_14 {strides = array<i32>} : memref<16384x64xf32, #tpu.memory_space<vmem>>, vector<128x64xf32>,
    %slice3A_18 = vector.extract_strided_slice %transpose3A {offsets = [0, 2], sizes = [128, 1], strides = [1, 1]} : vector<128x128xf32> to vector<128x1xf32>
    %mul3A_19 = vector.broadcast %slice3A_18 : vector<128x1xf32> to vector<128x64xf32>
    %mul3A_20 = vector.broadcast %get3A_6 : vector<1x64xf32> to vector<128x64xf32>
    %mul3A_21 = arith.mulf %mul3A_19, %mul3A_20 : vector<128x64xf32>
    %swap3A_22 = arith.constant 256 : index
    %swap3A_23 = arith.constant 0 : index
    %swap3A_24 = vector.load %arg5[%swap3A_22, %swap3A_23] : memref<16384x64xf32, #tpu.memory_space<vmem>>, vector<128x64xf32>
    tpu.vector_store %arg5[%swap3A_22, %swap3A_23], %mul3A_21 {strides = array<i32>} : memref<16384x64xf32, #tpu.memory_space<vmem>>, vector<128x64xf32>,
    %slice3A_25 = vector.extract_strided_slice %transpose3A {offsets = [0, 3], sizes = [128, 1], strides = [1, 1]} : vector<128x128xf32> to vector<128x1xf32>
    %mul3A_26 = vector.broadcast %slice3A_25 : vector<128x1xf32> to vector<128x64xf32>
    %mul3A_27 = vector.broadcast %get3A_6 : vector<1x64xf32> to vector<128x64xf32>
    %mul3A_28 = arith.mulf %mul3A_26, %mul3A_27 : vector<128x64xf32>
    %swap3A_29 = arith.constant 384 : index
    %swap3A_30 = arith.constant 0 : index
    %swap3A_31 = vector.load %arg5[%swap3A_29, %swap3A_30] : memref<16384x64xf32, #tpu.memory_space<vmem>>, vector<128x64xf32>
    tpu.vector_store %arg5[%swap3A_29, %swap3A_30], %mul3A_28 {strides = array<i32>} : memref<16384x64xf32, #tpu.memory_space<vmem>>, vector<128x64xf32>,
    %slice3A_32 = vector.extract_strided_slice %transpose3A {offsets = [0, 4], sizes = [128, 1], strides = [1, 1]} : vector<128x128xf32> to vector<128x1xf32>
    %mul3A_33 = vector.broadcast %slice3A_32 : vector<128x1xf32> to vector<128x64xf32>
    %mul3A_34 = vector.broadcast %get3A_6 : vector<1x64xf32> to vector<128x64xf32>
    %mul3A_35 = arith.mulf %mul3A_33, %mul3A_34 : vector<128x64xf32>
    %swap3A_36 = arith.constant 512 : index
    %swap3A_37 = arith.constant 0 : index
    %swap3A_38 = vector.load %arg5[%swap3A_36, %swap3A_37] : memref<16384x64xf32, #tpu.memory_space<vmem>>, vector<128x64xf32>
    tpu.vector_store %arg5[%swap3A_36, %swap3A_37], %mul3A_35 {strides = array<i32>} : memref<16384x64xf32, #tpu.memory_space<vmem>>, vector<128x64xf32>,
    %slice3A_39 = vector.extract_strided_slice %transpose3A {offsets = [0, 5], sizes = [128, 1], strides = [1, 1]} : vector<128x128xf32> to vector<128x1xf32>
    %mul3A_40 = vector.broadcast %slice3A_39 : vector<128x1xf32> to vector<128x64xf32>
    %mul3A_41 = vector.broadcast %get3A_6 : vector<1x64xf32> to vector<128x64xf32>
    %mul3A_42 = arith.mulf %mul3A_40, %mul3A_41 : vector<128x64xf32>
    %swap3A_43 = arith.constant 640 : index
    %swap3A_44 = arith.constant 0 : index
    %swap3A_45 = vector.load %arg5[%swap3A_43, %swap3A_44] : memref<16384x64xf32, #tpu.memory_space<vmem>>, vector<128x64xf32>
    tpu.vector_store %arg5[%swap3A_43, %swap3A_44], %mul3A_42 {strides = array<i32>} : memref<16384x64xf32, #tpu.memory_space<vmem>>, vector<128x64xf32>,
    %slice3A_46 = vector.extract_strided_slice %transpose3A {offsets = [0, 6], sizes = [128, 1], strides = [1, 1]} : vector<128x128xf32> to vector<128x1xf32>
    %mul3A_47 = vector.broadcast %slice3A_46 : vector<128x1xf32> to vector<128x64xf32>
    %mul3A_48 = vector.broadcast %get3A_6 : vector<1x64xf32> to vector<128x64xf32>
    %mul3A_49 = arith.mulf %mul3A_47, %mul3A_48 : vector<128x64xf32>
    %swap3A_50 = arith.constant 768 : index
    %swap3A_51 = arith.constant 0 : index
    %swap3A_52 = vector.load %arg5[%swap3A_50, %swap3A_51] : memref<16384x64xf32, #tpu.memory_space<vmem>>, vector<128x64xf32>
    tpu.vector_store %arg5[%swap3A_50, %swap3A_51], %mul3A_49 {strides = array<i32>} : memref<16384x64xf32, #tpu.memory_space<vmem>>, vector<128x64xf32>,
    %slice3A_53 = vector.extract_strided_slice %transpose3A {offsets = [0, 7], sizes = [128, 1], strides = [1, 1]} : vector<128x128xf32> to vector<128x1xf32>
    %mul3A_54 = vector.broadcast %slice3A_53 : vector<128x1xf32> to vector<128x64xf32>
    %mul3A_55 = vector.broadcast %get3A_6 : vector<1x64xf32> to vector<128x64xf32>
    %mul3A_56 = arith.mulf %mul3A_54, %mul3A_55 : vector<128x64xf32>
    %swap3A_57 = arith.constant 896 : index
    %swap3A_58 = arith.constant 0 : index
    %swap3A_59 = vector.load %arg5[%swap3A_57, %swap3A_58] : memref<16384x64xf32, #tpu.memory_space<vmem>>, vector<128x64xf32>
    tpu.vector_store %arg5[%swap3A_57, %swap3A_58], %mul3A_56 {strides = array<i32>} : memref<16384x64xf32, #tpu.memory_space<vmem>>, vector<128x64xf32>,
    %slice3A_60 = vector.extract_strided_slice %transpose3A {offsets = [0, 8], sizes = [128, 1], strides = [1, 1]} : vector<128x128xf32> to vector<128x1xf32>
    %mul3A_61 = vector.broadcast %slice3A_60 : vector<128x1xf32> to vector<128x64xf32>
    %mul3A_62 = vector.broadcast %get3A_6 : vector<1x64xf32> to vector<128x64xf32>
    %mul3A_63 = arith.mulf %mul3A_61, %mul3A_62 : vector<128x64xf32>
    %swap3A_64 = arith.constant 1024 : index
    %swap3A_65 = arith.constant 0 : index
    %swap3A_66 = vector.load %arg5[%swap3A_64, %swap3A_65] : memref<16384x64xf32, #tpu.memory_space<vmem>>, vector<128x64xf32>
    tpu.vector_store %arg5[%swap3A_64, %swap3A_65], %mul3A_63 {strides = array<i32>} : memref<16384x64xf32, #tpu.memory_space<vmem>>, vector<128x64xf32>,
    %slice3A_67 = vector.extract_strided_slice %transpose3A {offsets = [0, 9], sizes = [128, 1], strides = [1, 1]} : vector<128x128xf32> to vector<128x1xf32>
    %mul3A_68 = vector.broadcast %slice3A_67 : vector<128x1xf32> to vector<128x64xf32>
    %mul3A_69 = vector.broadcast %get3A_6 : vector<1x64xf32> to vector<128x64xf32>
    %mul3A_70 = arith.mulf %mul3A_68, %mul3A_69 : vector<128x64xf32>
    %swap3A_71 = arith.constant 1152 : index
    %swap3A_72 = arith.constant 0 : index
    %swap3A_73 = vector.load %arg5[%swap3A_71, %swap3A_72] : memref<16384x64xf32, #tpu.memory_space<vmem>>, vector<128x64xf32>
    tpu.vector_store %arg5[%swap3A_71, %swap3A_72], %mul3A_70 {strides = array<i32>} : memref<16384x64xf32, #tpu.memory_space<vmem>>, vector<128x64xf32>,
    %slice3A_74 = vector.extract_strided_slice %transpose3A {offsets = [0, 10], sizes = [128, 1], strides = [1, 1]} : vector<128x128xf32> to vector<128x1xf32>
    %mul3A_75 = vector.broadcast %slice3A_74 : vector<128x1xf32> to vector<128x64xf32>
    %mul3A_76 = vector.broadcast %get3A_6 : vector<1x64xf32> to vector<128x64xf32>
    %mul3A_77 = arith.mulf %mul3A_75, %mul3A_76 : vector<128x64xf32>
    %swap3A_78 = arith.constant 1280 : index
    %swap3A_79 = arith.constant 0 : index
    %swap3A_80 = vector.load %arg5[%swap3A_78, %swap3A_79] : memref<16384x64xf32, #tpu.memory_space<vmem>>, vector<128x64xf32>
    tpu.vector_store %arg5[%swap3A_78, %swap3A_79], %mul3A_77 {strides = array<i32>} : memref<16384x64xf32, #tpu.memory_space<vmem>>, vector<128x64xf32>,
    %slice3A_81 = vector.extract_strided_slice %transpose3A {offsets = [0, 11], sizes = [128, 1], strides = [1, 1]} : vector<128x128xf32> to vector<128x1xf32>
    %mul3A_82 = vector.broadcast %slice3A_81 : vector<128x1xf32> to vector<128x64xf32>
    %mul3A_83 = vector.broadcast %get3A_6 : vector<1x64xf32> to vector<128x64xf32>
    %mul3A_84 = arith.mulf %mul3A_82, %mul3A_83 : vector<128x64xf32>
    %swap3A_85 = arith.constant 1408 : index
    %swap3A_86 = arith.constant 0 : index
    %swap3A_87 = vector.load %arg5[%swap3A_85, %swap3A_86] : memref<16384x64xf32, #tpu.memory_space<vmem>>, vector<128x64xf32>
    tpu.vector_store %arg5[%swap3A_85, %swap3A_86], %mul3A_84 {strides = array<i32>} : memref<16384x64xf32, #tpu.memory_space<vmem>>, vector<128x64xf32>,
    %slice3A_88 = vector.extract_strided_slice %transpose3A {offsets = [0, 12], sizes = [128, 1], strides = [1, 1]} : vector<128x128xf32> to vector<128x1xf32>
    %mul3A_89 = vector.broadcast %slice3A_88 : vector<128x1xf32> to vector<128x64xf32>
    %mul3A_90 = vector.broadcast %get3A_6 : vector<1x64xf32> to vector<128x64xf32>
    %mul3A_91 = arith.mulf %mul3A_89, %mul3A_90 : vector<128x64xf32>
    %swap3A_92 = arith.constant 1536 : index
    %swap3A_93 = arith.constant 0 : index
    %swap3A_94 = vector.load %arg5[%swap3A_92, %swap3A_93] : memref<16384x64xf32, #tpu.memory_space<vmem>>, vector<128x64xf32>
    tpu.vector_store %arg5[%swap3A_92, %swap3A_93], %mul3A_91 {strides = array<i32>} : memref<16384x64xf32, #tpu.memory_space<vmem>>, vector<128x64xf32>,
    %slice3A_95 = vector.extract_strided_slice %transpose3A {offsets = [0, 13], sizes = [128, 1], strides = [1, 1]} : vector<128x128xf32> to vector<128x1xf32>
    %mul3A_96 = vector.broadcast %slice3A_95 : vector<128x1xf32> to vector<128x64xf32>
    %mul3A_97 = vector.broadcast %get3A_6 : vector<1x64xf32> to vector<128x64xf32>
    %mul3A_98 = arith.mulf %mul3A_96, %mul3A_97 : vector<128x64xf32>
    %swap3A_99 = arith.constant 1664 : index
    %swap3A_100 = arith.constant 0 : index
    %swap3A_101 = vector.load %arg5[%swap3A_99, %swap3A_100] : memref<16384x64xf32, #tpu.memory_space<vmem>>, vector<128x64xf32>
    tpu.vector_store %arg5[%swap3A_99, %swap3A_100], %mul3A_98 {strides = array<i32>} : memref<16384x64xf32, #tpu.memory_space<vmem>>, vector<128x64xf32>,
    %slice3A_102 = vector.extract_strided_slice %transpose3A {offsets = [0, 14], sizes = [128, 1], strides = [1, 1]} : vector<128x128xf32> to vector<128x1xf32>
    %mul3A_103 = vector.broadcast %slice3A_102 : vector<128x1xf32> to vector<128x64xf32>
    %mul3A_104 = vector.broadcast %get3A_6 : vector<1x64xf32> to vector<128x64xf32>
    %mul3A_105 = arith.mulf %mul3A_103, %mul3A_104 : vector<128x64xf32>
    %swap3A_106 = arith.constant 1792 : index
    %swap3A_107 = arith.constant 0 : index
    %swap3A_108 = vector.load %arg5[%swap3A_106, %swap3A_107] : memref<16384x64xf32, #tpu.memory_space<vmem>>, vector<128x64xf32>
    tpu.vector_store %arg5[%swap3A_106, %swap3A_107], %mul3A_105 {strides = array<i32>} : memref<16384x64xf32, #tpu.memory_space<vmem>>, vector<128x64xf32>,
    %slice3A_109 = vector.extract_strided_slice %transpose3A {offsets = [0, 15], sizes = [128, 1], strides = [1, 1]} : vector<128x128xf32> to vector<128x1xf32>
    %mul3A_110 = vector.broadcast %slice3A_109 : vector<128x1xf32> to vector<128x64xf32>
    %mul3A_111 = vector.broadcast %get3A_6 : vector<1x64xf32> to vector<128x64xf32>
    %mul3A_112 = arith.mulf %mul3A_110, %mul3A_111 : vector<128x64xf32>
    %swap3A_113 = arith.constant 1920 : index
    %swap3A_114 = arith.constant 0 : index
    %swap3A_115 = vector.load %arg5[%swap3A_113, %swap3A_114] : memref<16384x64xf32, #tpu.memory_space<vmem>>, vector<128x64xf32>
    tpu.vector_store %arg5[%swap3A_113, %swap3A_114], %mul3A_112 {strides = array<i32>} : memref<16384x64xf32, #tpu.memory_space<vmem>>, vector<128x64xf32>,
    %slice3A_116 = vector.extract_strided_slice %transpose3A {offsets = [0, 16], sizes = [128, 1], strides = [1, 1]} : vector<128x128xf32> to vector<128x1xf32>
    %mul3A_117 = vector.broadcast %slice3A_116 : vector<128x1xf32> to vector<128x64xf32>
    %mul3A_118 = vector.broadcast %get3A_6 : vector<1x64xf32> to vector<128x64xf32>
    %mul3A_119 = arith.mulf %mul3A_117, %mul3A_118 : vector<128x64xf32>
    %swap3A_120 = arith.constant 2048 : index
    %swap3A_121 = arith.constant 0 : index
    %swap3A_122 = vector.load %arg5[%swap3A_120, %swap3A_121] : memref<16384x64xf32, #tpu.memory_space<vmem>>, vector<128x64xf32>
    tpu.vector_store %arg5[%swap3A_120, %swap3A_121], %mul3A_119 {strides = array<i32>} : memref<16384x64xf32, #tpu.memory_space<vmem>>, vector<128x64xf32>,
    %slice3A_123 = vector.extract_strided_slice %transpose3A {offsets = [0, 17], sizes = [128, 1], strides = [1, 1]} : vector<128x128xf32> to vector<128x1xf32>
    %mul3A_124 = vector.broadcast %slice3A_123 : vector<128x1xf32> to vector<128x64xf32>
    %mul3A_125 = vector.broadcast %get3A_6 : vector<1x64xf32> to vector<128x64xf32>
    %mul3A_126 = arith.mulf %mul3A_124, %mul3A_125 : vector<128x64xf32>
    %swap3A_127 = arith.constant 2176 : index
    %swap3A_128 = arith.constant 0 : index
    %swap3A_129 = vector.load %arg5[%swap3A_127, %swap3A_128] : memref<16384x64xf32, #tpu.memory_space<vmem>>, vector<128x64xf32>
    tpu.vector_store %arg5[%swap3A_127, %swap3A_128], %mul3A_126 {strides = array<i32>} : memref<16384x64xf32, #tpu.memory_space<vmem>>, vector<128x64xf32>,
    %slice3A_130 = vector.extract_strided_slice %transpose3A {offsets = [0, 18], sizes = [128, 1], strides = [1, 1]} : vector<128x128xf32> to vector<128x1xf32>
    %mul3A_131 = vector.broadcast %slice3A_130 : vector<128x1xf32> to vector<128x64xf32>
    %mul3A_132 = vector.broadcast %get3A_6 : vector<1x64xf32> to vector<128x64xf32>
    %mul3A_133 = arith.mulf %mul3A_131, %mul3A_132 : vector<128x64xf32>
    %swap3A_134 = arith.constant 2304 : index
    %swap3A_135 = arith.constant 0 : index
    %swap3A_136 = vector.load %arg5[%swap3A_134, %swap3A_135] : memref<16384x64xf32, #tpu.memory_space<vmem>>, vector<128x64xf32>
    tpu.vector_store %arg5[%swap3A_134, %swap3A_135], %mul3A_133 {strides = array<i32>} : memref<16384x64xf32, #tpu.memory_space<vmem>>, vector<128x64xf32>,
    %slice3A_137 = vector.extract_strided_slice %transpose3A {offsets = [0, 19], sizes = [128, 1], strides = [1, 1]} : vector<128x128xf32> to vector<128x1xf32>
    %mul3A_138 = vector.broadcast %slice3A_137 : vector<128x1xf32> to vector<128x64xf32>
    %mul3A_139 = vector.broadcast %get3A_6 : vector<1x64xf32> to vector<128x64xf32>
    %mul3A_140 = arith.mulf %mul3A_138, %mul3A_139 : vector<128x64xf32>
    %swap3A_141 = arith.constant 2432 : index
    %swap3A_142 = arith.constant 0 : index
    %swap3A_143 = vector.load %arg5[%swap3A_141, %swap3A_142] : memref<16384x64xf32, #tpu.memory_space<vmem>>, vector<128x64xf32>
    tpu.vector_store %arg5[%swap3A_141, %swap3A_142], %mul3A_140 {strides = array<i32>} : memref<16384x64xf32, #tpu.memory_space<vmem>>, vector<128x64xf32>,
    %slice3A_144 = vector.extract_strided_slice %transpose3A {offsets = [0, 20], sizes = [128, 1], strides = [1, 1]} : vector<128x128xf32> to vector<128x1xf32>
    %mul3A_145 = vector.broadcast %slice3A_144 : vector<128x1xf32> to vector<128x64xf32>
    %mul3A_146 = vector.broadcast %get3A_6 : vector<1x64xf32> to vector<128x64xf32>
    %mul3A_147 = arith.mulf %mul3A_145, %mul3A_146 : vector<128x64xf32>
    %swap3A_148 = arith.constant 2560 : index
    %swap3A_149 = arith.constant 0 : index
    %swap3A_150 = vector.load %arg5[%swap3A_148, %swap3A_149] : memref<16384x64xf32, #tpu.memory_space<vmem>>, vector<128x64xf32>
    tpu.vector_store %arg5[%swap3A_148, %swap3A_149], %mul3A_147 {strides = array<i32>} : memref<16384x64xf32, #tpu.memory_space<vmem>>, vector<128x64xf32>,
    %slice3A_151 = vector.extract_strided_slice %transpose3A {offsets = [0, 21], sizes = [128, 1], strides = [1, 1]} : vector<128x128xf32> to vector<128x1xf32>
    %mul3A_152 = vector.broadcast %slice3A_151 : vector<128x1xf32> to vector<128x64xf32>
    %mul3A_153 = vector.broadcast %get3A_6 : vector<1x64xf32> to vector<128x64xf32>
    %mul3A_154 = arith.mulf %mul3A_152, %mul3A_153 : vector<128x64xf32>
    %swap3A_155 = arith.constant 2688 : index
    %swap3A_156 = arith.constant 0 : index
    %swap3A_157 = vector.load %arg5[%swap3A_155, %swap3A_156] : memref<16384x64xf32, #tpu.memory_space<vmem>>, vector<128x64xf32>
    tpu.vector_store %arg5[%swap3A_155, %swap3A_156], %mul3A_154 {strides = array<i32>} : memref<16384x64xf32, #tpu.memory_space<vmem>>, vector<128x64xf32>,
    %slice3A_158 = vector.extract_strided_slice %transpose3A {offsets = [0, 22], sizes = [128, 1], strides = [1, 1]} : vector<128x128xf32> to vector<128x1xf32>
    %mul3A_159 = vector.broadcast %slice3A_158 : vector<128x1xf32> to vector<128x64xf32>
    %mul3A_160 = vector.broadcast %get3A_6 : vector<1x64xf32> to vector<128x64xf32>
    %mul3A_161 = arith.mulf %mul3A_159, %mul3A_160 : vector<128x64xf32>
    %swap3A_162 = arith.constant 2816 : index
    %swap3A_163 = arith.constant 0 : index
    %swap3A_164 = vector.load %arg5[%swap3A_162, %swap3A_163] : memref<16384x64xf32, #tpu.memory_space<vmem>>, vector<128x64xf32>
    tpu.vector_store %arg5[%swap3A_162, %swap3A_163], %mul3A_161 {strides = array<i32>} : memref<16384x64xf32, #tpu.memory_space<vmem>>, vector<128x64xf32>,
    %slice3A_165 = vector.extract_strided_slice %transpose3A {offsets = [0, 23], sizes = [128, 1], strides = [1, 1]} : vector<128x128xf32> to vector<128x1xf32>
    %mul3A_166 = vector.broadcast %slice3A_165 : vector<128x1xf32> to vector<128x64xf32>
    %mul3A_167 = vector.broadcast %get3A_6 : vector<1x64xf32> to vector<128x64xf32>
    %mul3A_168 = arith.mulf %mul3A_166, %mul3A_167 : vector<128x64xf32>
    %swap3A_169 = arith.constant 2944 : index
    %swap3A_170 = arith.constant 0 : index
    %swap3A_171 = vector.load %arg5[%swap3A_169, %swap3A_170] : memref<16384x64xf32, #tpu.memory_space<vmem>>, vector<128x64xf32>
    tpu.vector_store %arg5[%swap3A_169, %swap3A_170], %mul3A_168 {strides = array<i32>} : memref<16384x64xf32, #tpu.memory_space<vmem>>, vector<128x64xf32>,
    %slice3A_172 = vector.extract_strided_slice %transpose3A {offsets = [0, 24], sizes = [128, 1], strides = [1, 1]} : vector<128x128xf32> to vector<128x1xf32>
    %mul3A_173 = vector.broadcast %slice3A_172 : vector<128x1xf32> to vector<128x64xf32>
    %mul3A_174 = vector.broadcast %get3A_6 : vector<1x64xf32> to vector<128x64xf32>
    %mul3A_175 = arith.mulf %mul3A_173, %mul3A_174 : vector<128x64xf32>
    %swap3A_176 = arith.constant 3072 : index
    %swap3A_177 = arith.constant 0 : index
    %swap3A_178 = vector.load %arg5[%swap3A_176, %swap3A_177] : memref<16384x64xf32, #tpu.memory_space<vmem>>, vector<128x64xf32>
    tpu.vector_store %arg5[%swap3A_176, %swap3A_177], %mul3A_175 {strides = array<i32>} : memref<16384x64xf32, #tpu.memory_space<vmem>>, vector<128x64xf32>,
    %slice3A_179 = vector.extract_strided_slice %transpose3A {offsets = [0, 25], sizes = [128, 1], strides = [1, 1]} : vector<128x128xf32> to vector<128x1xf32>
    %mul3A_180 = vector.broadcast %slice3A_179 : vector<128x1xf32> to vector<128x64xf32>
    %mul3A_181 = vector.broadcast %get3A_6 : vector<1x64xf32> to vector<128x64xf32>
    %mul3A_182 = arith.mulf %mul3A_180, %mul3A_181 : vector<128x64xf32>
    %swap3A_183 = arith.constant 3200 : index
    %swap3A_184 = arith.constant 0 : index
    %swap3A_185 = vector.load %arg5[%swap3A_183, %swap3A_184] : memref<16384x64xf32, #tpu.memory_space<vmem>>, vector<128x64xf32>
    tpu.vector_store %arg5[%swap3A_183, %swap3A_184], %mul3A_182 {strides = array<i32>} : memref<16384x64xf32, #tpu.memory_space<vmem>>, vector<128x64xf32>,
    %slice3A_186 = vector.extract_strided_slice %transpose3A {offsets = [0, 26], sizes = [128, 1], strides = [1, 1]} : vector<128x128xf32> to vector<128x1xf32>
    %mul3A_187 = vector.broadcast %slice3A_186 : vector<128x1xf32> to vector<128x64xf32>
    %mul3A_188 = vector.broadcast %get3A_6 : vector<1x64xf32> to vector<128x64xf32>
    %mul3A_189 = arith.mulf %mul3A_187, %mul3A_188 : vector<128x64xf32>
    %swap3A_190 = arith.constant 3328 : index
    %swap3A_191 = arith.constant 0 : index
    %swap3A_192 = vector.load %arg5[%swap3A_190, %swap3A_191] : memref<16384x64xf32, #tpu.memory_space<vmem>>, vector<128x64xf32>
    tpu.vector_store %arg5[%swap3A_190, %swap3A_191], %mul3A_189 {strides = array<i32>} : memref<16384x64xf32, #tpu.memory_space<vmem>>, vector<128x64xf32>,
    %slice3A_193 = vector.extract_strided_slice %transpose3A {offsets = [0, 27], sizes = [128, 1], strides = [1, 1]} : vector<128x128xf32> to vector<128x1xf32>
    %mul3A_194 = vector.broadcast %slice3A_193 : vector<128x1xf32> to vector<128x64xf32>
    %mul3A_195 = vector.broadcast %get3A_6 : vector<1x64xf32> to vector<128x64xf32>
    %mul3A_196 = arith.mulf %mul3A_194, %mul3A_195 : vector<128x64xf32>
    %swap3A_197 = arith.constant 3456 : index
    %swap3A_198 = arith.constant 0 : index
    %swap3A_199 = vector.load %arg5[%swap3A_197, %swap3A_198] : memref<16384x64xf32, #tpu.memory_space<vmem>>, vector<128x64xf32>
    tpu.vector_store %arg5[%swap3A_197, %swap3A_198], %mul3A_196 {strides = array<i32>} : memref<16384x64xf32, #tpu.memory_space<vmem>>, vector<128x64xf32>,
    %slice3A_200 = vector.extract_strided_slice %transpose3A {offsets = [0, 28], sizes = [128, 1], strides = [1, 1]} : vector<128x128xf32> to vector<128x1xf32>
    %mul3A_201 = vector.broadcast %slice3A_200 : vector<128x1xf32> to vector<128x64xf32>
    %mul3A_202 = vector.broadcast %get3A_6 : vector<1x64xf32> to vector<128x64xf32>
    %mul3A_203 = arith.mulf %mul3A_201, %mul3A_202 : vector<128x64xf32>
    %swap3A_204 = arith.constant 3584 : index
    %swap3A_205 = arith.constant 0 : index
    %swap3A_206 = vector.load %arg5[%swap3A_204, %swap3A_205] : memref<16384x64xf32, #tpu.memory_space<vmem>>, vector<128x64xf32>
    tpu.vector_store %arg5[%swap3A_204, %swap3A_205], %mul3A_203 {strides = array<i32>} : memref<16384x64xf32, #tpu.memory_space<vmem>>, vector<128x64xf32>,
    %slice3A_207 = vector.extract_strided_slice %transpose3A {offsets = [0, 29], sizes = [128, 1], strides = [1, 1]} : vector<128x128xf32> to vector<128x1xf32>
    %mul3A_208 = vector.broadcast %slice3A_207 : vector<128x1xf32> to vector<128x64xf32>
    %mul3A_209 = vector.broadcast %get3A_6 : vector<1x64xf32> to vector<128x64xf32>
    %mul3A_210 = arith.mulf %mul3A_208, %mul3A_209 : vector<128x64xf32>
    %swap3A_211 = arith.constant 3712 : index
    %swap3A_212 = arith.constant 0 : index
    %swap3A_213 = vector.load %arg5[%swap3A_211, %swap3A_212] : memref<16384x64xf32, #tpu.memory_space<vmem>>, vector<128x64xf32>
    tpu.vector_store %arg5[%swap3A_211, %swap3A_212], %mul3A_210 {strides = array<i32>} : memref<16384x64xf32, #tpu.memory_space<vmem>>, vector<128x64xf32>,
    %slice3A_214 = vector.extract_strided_slice %transpose3A {offsets = [0, 30], sizes = [128, 1], strides = [1, 1]} : vector<128x128xf32> to vector<128x1xf32>
    %mul3A_215 = vector.broadcast %slice3A_214 : vector<128x1xf32> to vector<128x64xf32>
    %mul3A_216 = vector.broadcast %get3A_6 : vector<1x64xf32> to vector<128x64xf32>
    %mul3A_217 = arith.mulf %mul3A_215, %mul3A_216 : vector<128x64xf32>
    %swap3A_218 = arith.constant 3840 : index
    %swap3A_219 = arith.constant 0 : index
    %swap3A_220 = vector.load %arg5[%swap3A_218, %swap3A_219] : memref<16384x64xf32, #tpu.memory_space<vmem>>, vector<128x64xf32>
    tpu.vector_store %arg5[%swap3A_218, %swap3A_219], %mul3A_217 {strides = array<i32>} : memref<16384x64xf32, #tpu.memory_space<vmem>>, vector<128x64xf32>,
    %slice3A_221 = vector.extract_strided_slice %transpose3A {offsets = [0, 31], sizes = [128, 1], strides = [1, 1]} : vector<128x128xf32> to vector<128x1xf32>
    %mul3A_222 = vector.broadcast %slice3A_221 : vector<128x1xf32> to vector<128x64xf32>
    %mul3A_223 = vector.broadcast %get3A_6 : vector<1x64xf32> to vector<128x64xf32>
    %mul3A_224 = arith.mulf %mul3A_222, %mul3A_223 : vector<128x64xf32>
    %swap3A_225 = arith.constant 3968 : index
    %swap3A_226 = arith.constant 0 : index
    %swap3A_227 = vector.load %arg5[%swap3A_225, %swap3A_226] : memref<16384x64xf32, #tpu.memory_space<vmem>>, vector<128x64xf32>
    tpu.vector_store %arg5[%swap3A_225, %swap3A_226], %mul3A_224 {strides = array<i32>} : memref<16384x64xf32, #tpu.memory_space<vmem>>, vector<128x64xf32>,
    %slice3A_228 = vector.extract_strided_slice %transpose3A {offsets = [0, 32], sizes = [128, 1], strides = [1, 1]} : vector<128x128xf32> to vector<128x1xf32>
    %mul3A_229 = vector.broadcast %slice3A_228 : vector<128x1xf32> to vector<128x64xf32>
    %mul3A_230 = vector.broadcast %get3A_6 : vector<1x64xf32> to vector<128x64xf32>
    %mul3A_231 = arith.mulf %mul3A_229, %mul3A_230 : vector<128x64xf32>
    %swap3A_232 = arith.constant 4096 : index
    %swap3A_233 = arith.constant 0 : index
    %swap3A_234 = vector.load %arg5[%swap3A_232, %swap3A_233] : memref<16384x64xf32, #tpu.memory_space<vmem>>, vector<128x64xf32>
    tpu.vector_store %arg5[%swap3A_232, %swap3A_233], %mul3A_231 {strides = array<i32>} : memref<16384x64xf32, #tpu.memory_space<vmem>>, vector<128x64xf32>,
    %slice3A_235 = vector.extract_strided_slice %transpose3A {offsets = [0, 33], sizes = [128, 1], strides = [1, 1]} : vector<128x128xf32> to vector<128x1xf32>
    %mul3A_236 = vector.broadcast %slice3A_235 : vector<128x1xf32> to vector<128x64xf32>
    %mul3A_237 = vector.broadcast %get3A_6 : vector<1x64xf32> to vector<128x64xf32>
    %mul3A_238 = arith.mulf %mul3A_236, %mul3A_237 : vector<128x64xf32>
    %swap3A_239 = arith.constant 4224 : index
    %swap3A_240 = arith.constant 0 : index
    %swap3A_241 = vector.load %arg5[%swap3A_239, %swap3A_240] : memref<16384x64xf32, #tpu.memory_space<vmem>>, vector<128x64xf32>
    tpu.vector_store %arg5[%swap3A_239, %swap3A_240], %mul3A_238 {strides = array<i32>} : memref<16384x64xf32, #tpu.memory_space<vmem>>, vector<128x64xf32>,
    %slice3A_242 = vector.extract_strided_slice %transpose3A {offsets = [0, 34], sizes = [128, 1], strides = [1, 1]} : vector<128x128xf32> to vector<128x1xf32>
    %mul3A_243 = vector.broadcast %slice3A_242 : vector<128x1xf32> to vector<128x64xf32>
    %mul3A_244 = vector.broadcast %get3A_6 : vector<1x64xf32> to vector<128x64xf32>
    %mul3A_245 = arith.mulf %mul3A_243, %mul3A_244 : vector<128x64xf32>
    %swap3A_246 = arith.constant 4352 : index
    %swap3A_247 = arith.constant 0 : index
    %swap3A_248 = vector.load %arg5[%swap3A_246, %swap3A_247] : memref<16384x64xf32, #tpu.memory_space<vmem>>, vector<128x64xf32>
    tpu.vector_store %arg5[%swap3A_246, %swap3A_247], %mul3A_245 {strides = array<i32>} : memref<16384x64xf32, #tpu.memory_space<vmem>>, vector<128x64xf32>,
    %slice3A_249 = vector.extract_strided_slice %transpose3A {offsets = [0, 35], sizes = [128, 1], strides = [1, 1]} : vector<128x128xf32> to vector<128x1xf32>
    %mul3A_250 = vector.broadcast %slice3A_249 : vector<128x1xf32> to vector<128x64xf32>
    %mul3A_251 = vector.broadcast %get3A_6 : vector<1x64xf32> to vector<128x64xf32>
    %mul3A_252 = arith.mulf %mul3A_250, %mul3A_251 : vector<128x64xf32>
    %swap3A_253 = arith.constant 4480 : index
    %swap3A_254 = arith.constant 0 : index
    %swap3A_255 = vector.load %arg5[%swap3A_253, %swap3A_254] : memref<16384x64xf32, #tpu.memory_space<vmem>>, vector<128x64xf32>
    tpu.vector_store %arg5[%swap3A_253, %swap3A_254], %mul3A_252 {strides = array<i32>} : memref<16384x64xf32, #tpu.memory_space<vmem>>, vector<128x64xf32>,
    %slice3A_256 = vector.extract_strided_slice %transpose3A {offsets = [0, 36], sizes = [128, 1], strides = [1, 1]} : vector<128x128xf32> to vector<128x1xf32>
    %mul3A_257 = vector.broadcast %slice3A_256 : vector<128x1xf32> to vector<128x64xf32>
    %mul3A_258 = vector.broadcast %get3A_6 : vector<1x64xf32> to vector<128x64xf32>
    %mul3A_259 = arith.mulf %mul3A_257, %mul3A_258 : vector<128x64xf32>
    %swap3A_260 = arith.constant 4608 : index
    %swap3A_261 = arith.constant 0 : index
    %swap3A_262 = vector.load %arg5[%swap3A_260, %swap3A_261] : memref<16384x64xf32, #tpu.memory_space<vmem>>, vector<128x64xf32>
    tpu.vector_store %arg5[%swap3A_260, %swap3A_261], %mul3A_259 {strides = array<i32>} : memref<16384x64xf32, #tpu.memory_space<vmem>>, vector<128x64xf32>,
    %slice3A_263 = vector.extract_strided_slice %transpose3A {offsets = [0, 37], sizes = [128, 1], strides = [1, 1]} : vector<128x128xf32> to vector<128x1xf32>
    %mul3A_264 = vector.broadcast %slice3A_263 : vector<128x1xf32> to vector<128x64xf32>
    %mul3A_265 = vector.broadcast %get3A_6 : vector<1x64xf32> to vector<128x64xf32>
    %mul3A_266 = arith.mulf %mul3A_264, %mul3A_265 : vector<128x64xf32>
    %swap3A_267 = arith.constant 4736 : index
    %swap3A_268 = arith.constant 0 : index
    %swap3A_269 = vector.load %arg5[%swap3A_267, %swap3A_268] : memref<16384x64xf32, #tpu.memory_space<vmem>>, vector<128x64xf32>
    tpu.vector_store %arg5[%swap3A_267, %swap3A_268], %mul3A_266 {strides = array<i32>} : memref<16384x64xf32, #tpu.memory_space<vmem>>, vector<128x64xf32>,
    %slice3A_270 = vector.extract_strided_slice %transpose3A {offsets = [0, 38], sizes = [128, 1], strides = [1, 1]} : vector<128x128xf32> to vector<128x1xf32>
    %mul3A_271 = vector.broadcast %slice3A_270 : vector<128x1xf32> to vector<128x64xf32>
    %mul3A_272 = vector.broadcast %get3A_6 : vector<1x64xf32> to vector<128x64xf32>
    %mul3A_273 = arith.mulf %mul3A_271, %mul3A_272 : vector<128x64xf32>
    %swap3A_274 = arith.constant 4864 : index
    %swap3A_275 = arith.constant 0 : index
    %swap3A_276 = vector.load %arg5[%swap3A_274, %swap3A_275] : memref<16384x64xf32, #tpu.memory_space<vmem>>, vector<128x64xf32>
    tpu.vector_store %arg5[%swap3A_274, %swap3A_275], %mul3A_273 {strides = array<i32>} : memref<16384x64xf32, #tpu.memory_space<vmem>>, vector<128x64xf32>,
    %slice3A_277 = vector.extract_strided_slice %transpose3A {offsets = [0, 39], sizes = [128, 1], strides = [1, 1]} : vector<128x128xf32> to vector<128x1xf32>
    %mul3A_278 = vector.broadcast %slice3A_277 : vector<128x1xf32> to vector<128x64xf32>
    %mul3A_279 = vector.broadcast %get3A_6 : vector<1x64xf32> to vector<128x64xf32>
    %mul3A_280 = arith.mulf %mul3A_278, %mul3A_279 : vector<128x64xf32>
    %swap3A_281 = arith.constant 4992 : index
    %swap3A_282 = arith.constant 0 : index
    %swap3A_283 = vector.load %arg5[%swap3A_281, %swap3A_282] : memref<16384x64xf32, #tpu.memory_space<vmem>>, vector<128x64xf32>
    tpu.vector_store %arg5[%swap3A_281, %swap3A_282], %mul3A_280 {strides = array<i32>} : memref<16384x64xf32, #tpu.memory_space<vmem>>, vector<128x64xf32>,
    %slice3A_284 = vector.extract_strided_slice %transpose3A {offsets = [0, 40], sizes = [128, 1], strides = [1, 1]} : vector<128x128xf32> to vector<128x1xf32>
    %mul3A_285 = vector.broadcast %slice3A_284 : vector<128x1xf32> to vector<128x64xf32>
    %mul3A_286 = vector.broadcast %get3A_6 : vector<1x64xf32> to vector<128x64xf32>
    %mul3A_287 = arith.mulf %mul3A_285, %mul3A_286 : vector<128x64xf32>
    %swap3A_288 = arith.constant 5120 : index
    %swap3A_289 = arith.constant 0 : index
    %swap3A_290 = vector.load %arg5[%swap3A_288, %swap3A_289] : memref<16384x64xf32, #tpu.memory_space<vmem>>, vector<128x64xf32>
    tpu.vector_store %arg5[%swap3A_288, %swap3A_289], %mul3A_287 {strides = array<i32>} : memref<16384x64xf32, #tpu.memory_space<vmem>>, vector<128x64xf32>,
    %slice3A_291 = vector.extract_strided_slice %transpose3A {offsets = [0, 41], sizes = [128, 1], strides = [1, 1]} : vector<128x128xf32> to vector<128x1xf32>
    %mul3A_292 = vector.broadcast %slice3A_291 : vector<128x1xf32> to vector<128x64xf32>
    %mul3A_293 = vector.broadcast %get3A_6 : vector<1x64xf32> to vector<128x64xf32>
    %mul3A_294 = arith.mulf %mul3A_292, %mul3A_293 : vector<128x64xf32>
    %swap3A_295 = arith.constant 5248 : index
    %swap3A_296 = arith.constant 0 : index
    %swap3A_297 = vector.load %arg5[%swap3A_295, %swap3A_296] : memref<16384x64xf32, #tpu.memory_space<vmem>>, vector<128x64xf32>
    tpu.vector_store %arg5[%swap3A_295, %swap3A_296], %mul3A_294 {strides = array<i32>} : memref<16384x64xf32, #tpu.memory_space<vmem>>, vector<128x64xf32>,
    %slice3A_298 = vector.extract_strided_slice %transpose3A {offsets = [0, 42], sizes = [128, 1], strides = [1, 1]} : vector<128x128xf32> to vector<128x1xf32>
    %mul3A_299 = vector.broadcast %slice3A_298 : vector<128x1xf32> to vector<128x64xf32>
    %mul3A_300 = vector.broadcast %get3A_6 : vector<1x64xf32> to vector<128x64xf32>
    %mul3A_301 = arith.mulf %mul3A_299, %mul3A_300 : vector<128x64xf32>
    %swap3A_302 = arith.constant 5376 : index
    %swap3A_303 = arith.constant 0 : index
    %swap3A_304 = vector.load %arg5[%swap3A_302, %swap3A_303] : memref<16384x64xf32, #tpu.memory_space<vmem>>, vector<128x64xf32>
    tpu.vector_store %arg5[%swap3A_302, %swap3A_303], %mul3A_301 {strides = array<i32>} : memref<16384x64xf32, #tpu.memory_space<vmem>>, vector<128x64xf32>,
    %slice3A_305 = vector.extract_strided_slice %transpose3A {offsets = [0, 43], sizes = [128, 1], strides = [1, 1]} : vector<128x128xf32> to vector<128x1xf32>
    %mul3A_306 = vector.broadcast %slice3A_305 : vector<128x1xf32> to vector<128x64xf32>
    %mul3A_307 = vector.broadcast %get3A_6 : vector<1x64xf32> to vector<128x64xf32>
    %mul3A_308 = arith.mulf %mul3A_306, %mul3A_307 : vector<128x64xf32>
    %swap3A_309 = arith.constant 5504 : index
    %swap3A_310 = arith.constant 0 : index
    %swap3A_311 = vector.load %arg5[%swap3A_309, %swap3A_310] : memref<16384x64xf32, #tpu.memory_space<vmem>>, vector<128x64xf32>
    tpu.vector_store %arg5[%swap3A_309, %swap3A_310], %mul3A_308 {strides = array<i32>} : memref<16384x64xf32, #tpu.memory_space<vmem>>, vector<128x64xf32>,
    %slice3A_312 = vector.extract_strided_slice %transpose3A {offsets = [0, 44], sizes = [128, 1], strides = [1, 1]} : vector<128x128xf32> to vector<128x1xf32>
    %mul3A_313 = vector.broadcast %slice3A_312 : vector<128x1xf32> to vector<128x64xf32>
    %mul3A_314 = vector.broadcast %get3A_6 : vector<1x64xf32> to vector<128x64xf32>
    %mul3A_315 = arith.mulf %mul3A_313, %mul3A_314 : vector<128x64xf32>
    %swap3A_316 = arith.constant 5632 : index
    %swap3A_317 = arith.constant 0 : index
    %swap3A_318 = vector.load %arg5[%swap3A_316, %swap3A_317] : memref<16384x64xf32, #tpu.memory_space<vmem>>, vector<128x64xf32>
    tpu.vector_store %arg5[%swap3A_316, %swap3A_317], %mul3A_315 {strides = array<i32>} : memref<16384x64xf32, #tpu.memory_space<vmem>>, vector<128x64xf32>,
    %slice3A_319 = vector.extract_strided_slice %transpose3A {offsets = [0, 45], sizes = [128, 1], strides = [1, 1]} : vector<128x128xf32> to vector<128x1xf32>
    %mul3A_320 = vector.broadcast %slice3A_319 : vector<128x1xf32> to vector<128x64xf32>
    %mul3A_321 = vector.broadcast %get3A_6 : vector<1x64xf32> to vector<128x64xf32>
    %mul3A_322 = arith.mulf %mul3A_320, %mul3A_321 : vector<128x64xf32>
    %swap3A_323 = arith.constant 5760 : index
    %swap3A_324 = arith.constant 0 : index
    %swap3A_325 = vector.load %arg5[%swap3A_323, %swap3A_324] : memref<16384x64xf32, #tpu.memory_space<vmem>>, vector<128x64xf32>
    tpu.vector_store %arg5[%swap3A_323, %swap3A_324], %mul3A_322 {strides = array<i32>} : memref<16384x64xf32, #tpu.memory_space<vmem>>, vector<128x64xf32>,
    %slice3A_326 = vector.extract_strided_slice %transpose3A {offsets = [0, 46], sizes = [128, 1], strides = [1, 1]} : vector<128x128xf32> to vector<128x1xf32>
    %mul3A_327 = vector.broadcast %slice3A_326 : vector<128x1xf32> to vector<128x64xf32>
    %mul3A_328 = vector.broadcast %get3A_6 : vector<1x64xf32> to vector<128x64xf32>
    %mul3A_329 = arith.mulf %mul3A_327, %mul3A_328 : vector<128x64xf32>
    %swap3A_330 = arith.constant 5888 : index
    %swap3A_331 = arith.constant 0 : index
    %swap3A_332 = vector.load %arg5[%swap3A_330, %swap3A_331] : memref<16384x64xf32, #tpu.memory_space<vmem>>, vector<128x64xf32>
    tpu.vector_store %arg5[%swap3A_330, %swap3A_331], %mul3A_329 {strides = array<i32>} : memref<16384x64xf32, #tpu.memory_space<vmem>>, vector<128x64xf32>,
    %slice3A_333 = vector.extract_strided_slice %transpose3A {offsets = [0, 47], sizes = [128, 1], strides = [1, 1]} : vector<128x128xf32> to vector<128x1xf32>
    %mul3A_334 = vector.broadcast %slice3A_333 : vector<128x1xf32> to vector<128x64xf32>
    %mul3A_335 = vector.broadcast %get3A_6 : vector<1x64xf32> to vector<128x64xf32>
    %mul3A_336 = arith.mulf %mul3A_334, %mul3A_335 : vector<128x64xf32>
    %swap3A_337 = arith.constant 6016 : index
    %swap3A_338 = arith.constant 0 : index
    %swap3A_339 = vector.load %arg5[%swap3A_337, %swap3A_338] : memref<16384x64xf32, #tpu.memory_space<vmem>>, vector<128x64xf32>
    tpu.vector_store %arg5[%swap3A_337, %swap3A_338], %mul3A_336 {strides = array<i32>} : memref<16384x64xf32, #tpu.memory_space<vmem>>, vector<128x64xf32>,
    %slice3A_340 = vector.extract_strided_slice %transpose3A {offsets = [0, 48], sizes = [128, 1], strides = [1, 1]} : vector<128x128xf32> to vector<128x1xf32>
    %mul3A_341 = vector.broadcast %slice3A_340 : vector<128x1xf32> to vector<128x64xf32>
    %mul3A_342 = vector.broadcast %get3A_6 : vector<1x64xf32> to vector<128x64xf32>
    %mul3A_343 = arith.mulf %mul3A_341, %mul3A_342 : vector<128x64xf32>
    %swap3A_344 = arith.constant 6144 : index
    %swap3A_345 = arith.constant 0 : index
    %swap3A_346 = vector.load %arg5[%swap3A_344, %swap3A_345] : memref<16384x64xf32, #tpu.memory_space<vmem>>, vector<128x64xf32>
    tpu.vector_store %arg5[%swap3A_344, %swap3A_345], %mul3A_343 {strides = array<i32>} : memref<16384x64xf32, #tpu.memory_space<vmem>>, vector<128x64xf32>,
    %slice3A_347 = vector.extract_strided_slice %transpose3A {offsets = [0, 49], sizes = [128, 1], strides = [1, 1]} : vector<128x128xf32> to vector<128x1xf32>
    %mul3A_348 = vector.broadcast %slice3A_347 : vector<128x1xf32> to vector<128x64xf32>
    %mul3A_349 = vector.broadcast %get3A_6 : vector<1x64xf32> to vector<128x64xf32>
    %mul3A_350 = arith.mulf %mul3A_348, %mul3A_349 : vector<128x64xf32>
    %swap3A_351 = arith.constant 6272 : index
    %swap3A_352 = arith.constant 0 : index
    %swap3A_353 = vector.load %arg5[%swap3A_351, %swap3A_352] : memref<16384x64xf32, #tpu.memory_space<vmem>>, vector<128x64xf32>
    tpu.vector_store %arg5[%swap3A_351, %swap3A_352], %mul3A_350 {strides = array<i32>} : memref<16384x64xf32, #tpu.memory_space<vmem>>, vector<128x64xf32>,
    %slice3A_354 = vector.extract_strided_slice %transpose3A {offsets = [0, 50], sizes = [128, 1], strides = [1, 1]} : vector<128x128xf32> to vector<128x1xf32>
    %mul3A_355 = vector.broadcast %slice3A_354 : vector<128x1xf32> to vector<128x64xf32>
    %mul3A_356 = vector.broadcast %get3A_6 : vector<1x64xf32> to vector<128x64xf32>
    %mul3A_357 = arith.mulf %mul3A_355, %mul3A_356 : vector<128x64xf32>
    %swap3A_358 = arith.constant 6400 : index
    %swap3A_359 = arith.constant 0 : index
    %swap3A_360 = vector.load %arg5[%swap3A_358, %swap3A_359] : memref<16384x64xf32, #tpu.memory_space<vmem>>, vector<128x64xf32>
    tpu.vector_store %arg5[%swap3A_358, %swap3A_359], %mul3A_357 {strides = array<i32>} : memref<16384x64xf32, #tpu.memory_space<vmem>>, vector<128x64xf32>,
    %slice3A_361 = vector.extract_strided_slice %transpose3A {offsets = [0, 51], sizes = [128, 1], strides = [1, 1]} : vector<128x128xf32> to vector<128x1xf32>
    %mul3A_362 = vector.broadcast %slice3A_361 : vector<128x1xf32> to vector<128x64xf32>
    %mul3A_363 = vector.broadcast %get3A_6 : vector<1x64xf32> to vector<128x64xf32>
    %mul3A_364 = arith.mulf %mul3A_362, %mul3A_363 : vector<128x64xf32>
    %swap3A_365 = arith.constant 6528 : index
    %swap3A_366 = arith.constant 0 : index
    %swap3A_367 = vector.load %arg5[%swap3A_365, %swap3A_366] : memref<16384x64xf32, #tpu.memory_space<vmem>>, vector<128x64xf32>
    tpu.vector_store %arg5[%swap3A_365, %swap3A_366], %mul3A_364 {strides = array<i32>} : memref<16384x64xf32, #tpu.memory_space<vmem>>, vector<128x64xf32>,
    %slice3A_368 = vector.extract_strided_slice %transpose3A {offsets = [0, 52], sizes = [128, 1], strides = [1, 1]} : vector<128x128xf32> to vector<128x1xf32>
    %mul3A_369 = vector.broadcast %slice3A_368 : vector<128x1xf32> to vector<128x64xf32>
    %mul3A_370 = vector.broadcast %get3A_6 : vector<1x64xf32> to vector<128x64xf32>
    %mul3A_371 = arith.mulf %mul3A_369, %mul3A_370 : vector<128x64xf32>
    %swap3A_372 = arith.constant 6656 : index
    %swap3A_373 = arith.constant 0 : index
    %swap3A_374 = vector.load %arg5[%swap3A_372, %swap3A_373] : memref<16384x64xf32, #tpu.memory_space<vmem>>, vector<128x64xf32>
    tpu.vector_store %arg5[%swap3A_372, %swap3A_373], %mul3A_371 {strides = array<i32>} : memref<16384x64xf32, #tpu.memory_space<vmem>>, vector<128x64xf32>,
    %slice3A_375 = vector.extract_strided_slice %transpose3A {offsets = [0, 53], sizes = [128, 1], strides = [1, 1]} : vector<128x128xf32> to vector<128x1xf32>
    %mul3A_376 = vector.broadcast %slice3A_375 : vector<128x1xf32> to vector<128x64xf32>
    %mul3A_377 = vector.broadcast %get3A_6 : vector<1x64xf32> to vector<128x64xf32>
    %mul3A_378 = arith.mulf %mul3A_376, %mul3A_377 : vector<128x64xf32>
    %swap3A_379 = arith.constant 6784 : index
    %swap3A_380 = arith.constant 0 : index
    %swap3A_381 = vector.load %arg5[%swap3A_379, %swap3A_380] : memref<16384x64xf32, #tpu.memory_space<vmem>>, vector<128x64xf32>
    tpu.vector_store %arg5[%swap3A_379, %swap3A_380], %mul3A_378 {strides = array<i32>} : memref<16384x64xf32, #tpu.memory_space<vmem>>, vector<128x64xf32>,
    %slice3A_382 = vector.extract_strided_slice %transpose3A {offsets = [0, 54], sizes = [128, 1], strides = [1, 1]} : vector<128x128xf32> to vector<128x1xf32>
    %mul3A_383 = vector.broadcast %slice3A_382 : vector<128x1xf32> to vector<128x64xf32>
    %mul3A_384 = vector.broadcast %get3A_6 : vector<1x64xf32> to vector<128x64xf32>
    %mul3A_385 = arith.mulf %mul3A_383, %mul3A_384 : vector<128x64xf32>
    %swap3A_386 = arith.constant 6912 : index
    %swap3A_387 = arith.constant 0 : index
    %swap3A_388 = vector.load %arg5[%swap3A_386, %swap3A_387] : memref<16384x64xf32, #tpu.memory_space<vmem>>, vector<128x64xf32>
    tpu.vector_store %arg5[%swap3A_386, %swap3A_387], %mul3A_385 {strides = array<i32>} : memref<16384x64xf32, #tpu.memory_space<vmem>>, vector<128x64xf32>,
    %slice3A_389 = vector.extract_strided_slice %transpose3A {offsets = [0, 55], sizes = [128, 1], strides = [1, 1]} : vector<128x128xf32> to vector<128x1xf32>
    %mul3A_390 = vector.broadcast %slice3A_389 : vector<128x1xf32> to vector<128x64xf32>
    %mul3A_391 = vector.broadcast %get3A_6 : vector<1x64xf32> to vector<128x64xf32>
    %mul3A_392 = arith.mulf %mul3A_390, %mul3A_391 : vector<128x64xf32>
    %swap3A_393 = arith.constant 7040 : index
    %swap3A_394 = arith.constant 0 : index
    %swap3A_395 = vector.load %arg5[%swap3A_393, %swap3A_394] : memref<16384x64xf32, #tpu.memory_space<vmem>>, vector<128x64xf32>
    tpu.vector_store %arg5[%swap3A_393, %swap3A_394], %mul3A_392 {strides = array<i32>} : memref<16384x64xf32, #tpu.memory_space<vmem>>, vector<128x64xf32>,
    %slice3A_396 = vector.extract_strided_slice %transpose3A {offsets = [0, 56], sizes = [128, 1], strides = [1, 1]} : vector<128x128xf32> to vector<128x1xf32>
    %mul3A_397 = vector.broadcast %slice3A_396 : vector<128x1xf32> to vector<128x64xf32>
    %mul3A_398 = vector.broadcast %get3A_6 : vector<1x64xf32> to vector<128x64xf32>
    %mul3A_399 = arith.mulf %mul3A_397, %mul3A_398 : vector<128x64xf32>
    %swap3A_400 = arith.constant 7168 : index
    %swap3A_401 = arith.constant 0 : index
    %swap3A_402 = vector.load %arg5[%swap3A_400, %swap3A_401] : memref<16384x64xf32, #tpu.memory_space<vmem>>, vector<128x64xf32>
    tpu.vector_store %arg5[%swap3A_400, %swap3A_401], %mul3A_399 {strides = array<i32>} : memref<16384x64xf32, #tpu.memory_space<vmem>>, vector<128x64xf32>,
    %slice3A_403 = vector.extract_strided_slice %transpose3A {offsets = [0, 57], sizes = [128, 1], strides = [1, 1]} : vector<128x128xf32> to vector<128x1xf32>
    %mul3A_404 = vector.broadcast %slice3A_403 : vector<128x1xf32> to vector<128x64xf32>
    %mul3A_405 = vector.broadcast %get3A_6 : vector<1x64xf32> to vector<128x64xf32>
    %mul3A_406 = arith.mulf %mul3A_404, %mul3A_405 : vector<128x64xf32>
    %swap3A_407 = arith.constant 7296 : index
    %swap3A_408 = arith.constant 0 : index
    %swap3A_409 = vector.load %arg5[%swap3A_407, %swap3A_408] : memref<16384x64xf32, #tpu.memory_space<vmem>>, vector<128x64xf32>
    tpu.vector_store %arg5[%swap3A_407, %swap3A_408], %mul3A_406 {strides = array<i32>} : memref<16384x64xf32, #tpu.memory_space<vmem>>, vector<128x64xf32>,
    %slice3A_410 = vector.extract_strided_slice %transpose3A {offsets = [0, 58], sizes = [128, 1], strides = [1, 1]} : vector<128x128xf32> to vector<128x1xf32>
    %mul3A_411 = vector.broadcast %slice3A_410 : vector<128x1xf32> to vector<128x64xf32>
    %mul3A_412 = vector.broadcast %get3A_6 : vector<1x64xf32> to vector<128x64xf32>
    %mul3A_413 = arith.mulf %mul3A_411, %mul3A_412 : vector<128x64xf32>
    %swap3A_414 = arith.constant 7424 : index
    %swap3A_415 = arith.constant 0 : index
    %swap3A_416 = vector.load %arg5[%swap3A_414, %swap3A_415] : memref<16384x64xf32, #tpu.memory_space<vmem>>, vector<128x64xf32>
    tpu.vector_store %arg5[%swap3A_414, %swap3A_415], %mul3A_413 {strides = array<i32>} : memref<16384x64xf32, #tpu.memory_space<vmem>>, vector<128x64xf32>,
    %slice3A_417 = vector.extract_strided_slice %transpose3A {offsets = [0, 59], sizes = [128, 1], strides = [1, 1]} : vector<128x128xf32> to vector<128x1xf32>
    %mul3A_418 = vector.broadcast %slice3A_417 : vector<128x1xf32> to vector<128x64xf32>
    %mul3A_419 = vector.broadcast %get3A_6 : vector<1x64xf32> to vector<128x64xf32>
    %mul3A_420 = arith.mulf %mul3A_418, %mul3A_419 : vector<128x64xf32>
    %swap3A_421 = arith.constant 7552 : index
    %swap3A_422 = arith.constant 0 : index
    %swap3A_423 = vector.load %arg5[%swap3A_421, %swap3A_422] : memref<16384x64xf32, #tpu.memory_space<vmem>>, vector<128x64xf32>
    tpu.vector_store %arg5[%swap3A_421, %swap3A_422], %mul3A_420 {strides = array<i32>} : memref<16384x64xf32, #tpu.memory_space<vmem>>, vector<128x64xf32>,
    %slice3A_424 = vector.extract_strided_slice %transpose3A {offsets = [0, 60], sizes = [128, 1], strides = [1, 1]} : vector<128x128xf32> to vector<128x1xf32>
    %mul3A_425 = vector.broadcast %slice3A_424 : vector<128x1xf32> to vector<128x64xf32>
    %mul3A_426 = vector.broadcast %get3A_6 : vector<1x64xf32> to vector<128x64xf32>
    %mul3A_427 = arith.mulf %mul3A_425, %mul3A_426 : vector<128x64xf32>
    %swap3A_428 = arith.constant 7680 : index
    %swap3A_429 = arith.constant 0 : index
    %swap3A_430 = vector.load %arg5[%swap3A_428, %swap3A_429] : memref<16384x64xf32, #tpu.memory_space<vmem>>, vector<128x64xf32>
    tpu.vector_store %arg5[%swap3A_428, %swap3A_429], %mul3A_427 {strides = array<i32>} : memref<16384x64xf32, #tpu.memory_space<vmem>>, vector<128x64xf32>,
    %slice3A_431 = vector.extract_strided_slice %transpose3A {offsets = [0, 61], sizes = [128, 1], strides = [1, 1]} : vector<128x128xf32> to vector<128x1xf32>
    %mul3A_432 = vector.broadcast %slice3A_431 : vector<128x1xf32> to vector<128x64xf32>
    %mul3A_433 = vector.broadcast %get3A_6 : vector<1x64xf32> to vector<128x64xf32>
    %mul3A_434 = arith.mulf %mul3A_432, %mul3A_433 : vector<128x64xf32>
    %swap3A_435 = arith.constant 7808 : index
    %swap3A_436 = arith.constant 0 : index
    %swap3A_437 = vector.load %arg5[%swap3A_435, %swap3A_436] : memref<16384x64xf32, #tpu.memory_space<vmem>>, vector<128x64xf32>
    tpu.vector_store %arg5[%swap3A_435, %swap3A_436], %mul3A_434 {strides = array<i32>} : memref<16384x64xf32, #tpu.memory_space<vmem>>, vector<128x64xf32>,
    %slice3A_438 = vector.extract_strided_slice %transpose3A {offsets = [0, 62], sizes = [128, 1], strides = [1, 1]} : vector<128x128xf32> to vector<128x1xf32>
    %mul3A_439 = vector.broadcast %slice3A_438 : vector<128x1xf32> to vector<128x64xf32>
    %mul3A_440 = vector.broadcast %get3A_6 : vector<1x64xf32> to vector<128x64xf32>
    %mul3A_441 = arith.mulf %mul3A_439, %mul3A_440 : vector<128x64xf32>
    %swap3A_442 = arith.constant 7936 : index
    %swap3A_443 = arith.constant 0 : index
    %swap3A_444 = vector.load %arg5[%swap3A_442, %swap3A_443] : memref<16384x64xf32, #tpu.memory_space<vmem>>, vector<128x64xf32>
    tpu.vector_store %arg5[%swap3A_442, %swap3A_443], %mul3A_441 {strides = array<i32>} : memref<16384x64xf32, #tpu.memory_space<vmem>>, vector<128x64xf32>,
    %slice3A_445 = vector.extract_strided_slice %transpose3A {offsets = [0, 63], sizes = [128, 1], strides = [1, 1]} : vector<128x128xf32> to vector<128x1xf32>
    %mul3A_446 = vector.broadcast %slice3A_445 : vector<128x1xf32> to vector<128x64xf32>
    %mul3A_447 = vector.broadcast %get3A_6 : vector<1x64xf32> to vector<128x64xf32>
    %mul3A_448 = arith.mulf %mul3A_446, %mul3A_447 : vector<128x64xf32>
    %swap3A_449 = arith.constant 8064 : index
    %swap3A_450 = arith.constant 0 : index
    %swap3A_451 = vector.load %arg5[%swap3A_449, %swap3A_450] : memref<16384x64xf32, #tpu.memory_space<vmem>>, vector<128x64xf32>
    tpu.vector_store %arg5[%swap3A_449, %swap3A_450], %mul3A_448 {strides = array<i32>} : memref<16384x64xf32, #tpu.memory_space<vmem>>, vector<128x64xf32>,
    %slice3A_452 = vector.extract_strided_slice %transpose3A {offsets = [0, 64], sizes = [128, 1], strides = [1, 1]} : vector<128x128xf32> to vector<128x1xf32>
    %mul3A_453 = vector.broadcast %slice3A_452 : vector<128x1xf32> to vector<128x64xf32>
    %mul3A_454 = vector.broadcast %get3A_6 : vector<1x64xf32> to vector<128x64xf32>
    %mul3A_455 = arith.mulf %mul3A_453, %mul3A_454 : vector<128x64xf32>
    %swap3A_456 = arith.constant 8192 : index
    %swap3A_457 = arith.constant 0 : index
    %swap3A_458 = vector.load %arg5[%swap3A_456, %swap3A_457] : memref<16384x64xf32, #tpu.memory_space<vmem>>, vector<128x64xf32>
    tpu.vector_store %arg5[%swap3A_456, %swap3A_457], %mul3A_455 {strides = array<i32>} : memref<16384x64xf32, #tpu.memory_space<vmem>>, vector<128x64xf32>,
    %slice3A_459 = vector.extract_strided_slice %transpose3A {offsets = [0, 65], sizes = [128, 1], strides = [1, 1]} : vector<128x128xf32> to vector<128x1xf32>
    %mul3A_460 = vector.broadcast %slice3A_459 : vector<128x1xf32> to vector<128x64xf32>
    %mul3A_461 = vector.broadcast %get3A_6 : vector<1x64xf32> to vector<128x64xf32>
    %mul3A_462 = arith.mulf %mul3A_460, %mul3A_461 : vector<128x64xf32>
    %swap3A_463 = arith.constant 8320 : index
    %swap3A_464 = arith.constant 0 : index
    %swap3A_465 = vector.load %arg5[%swap3A_463, %swap3A_464] : memref<16384x64xf32, #tpu.memory_space<vmem>>, vector<128x64xf32>
    tpu.vector_store %arg5[%swap3A_463, %swap3A_464], %mul3A_462 {strides = array<i32>} : memref<16384x64xf32, #tpu.memory_space<vmem>>, vector<128x64xf32>,
    %slice3A_466 = vector.extract_strided_slice %transpose3A {offsets = [0, 66], sizes = [128, 1], strides = [1, 1]} : vector<128x128xf32> to vector<128x1xf32>
    %mul3A_467 = vector.broadcast %slice3A_466 : vector<128x1xf32> to vector<128x64xf32>
    %mul3A_468 = vector.broadcast %get3A_6 : vector<1x64xf32> to vector<128x64xf32>
    %mul3A_469 = arith.mulf %mul3A_467, %mul3A_468 : vector<128x64xf32>
    %swap3A_470 = arith.constant 8448 : index
    %swap3A_471 = arith.constant 0 : index
    %swap3A_472 = vector.load %arg5[%swap3A_470, %swap3A_471] : memref<16384x64xf32, #tpu.memory_space<vmem>>, vector<128x64xf32>
    tpu.vector_store %arg5[%swap3A_470, %swap3A_471], %mul3A_469 {strides = array<i32>} : memref<16384x64xf32, #tpu.memory_space<vmem>>, vector<128x64xf32>,
    %slice3A_473 = vector.extract_strided_slice %transpose3A {offsets = [0, 67], sizes = [128, 1], strides = [1, 1]} : vector<128x128xf32> to vector<128x1xf32>
    %mul3A_474 = vector.broadcast %slice3A_473 : vector<128x1xf32> to vector<128x64xf32>
    %mul3A_475 = vector.broadcast %get3A_6 : vector<1x64xf32> to vector<128x64xf32>
    %mul3A_476 = arith.mulf %mul3A_474, %mul3A_475 : vector<128x64xf32>
    %swap3A_477 = arith.constant 8576 : index
    %swap3A_478 = arith.constant 0 : index
    %swap3A_479 = vector.load %arg5[%swap3A_477, %swap3A_478] : memref<16384x64xf32, #tpu.memory_space<vmem>>, vector<128x64xf32>
    tpu.vector_store %arg5[%swap3A_477, %swap3A_478], %mul3A_476 {strides = array<i32>} : memref<16384x64xf32, #tpu.memory_space<vmem>>, vector<128x64xf32>,
    %slice3A_480 = vector.extract_strided_slice %transpose3A {offsets = [0, 68], sizes = [128, 1], strides = [1, 1]} : vector<128x128xf32> to vector<128x1xf32>
    %mul3A_481 = vector.broadcast %slice3A_480 : vector<128x1xf32> to vector<128x64xf32>
    %mul3A_482 = vector.broadcast %get3A_6 : vector<1x64xf32> to vector<128x64xf32>
    %mul3A_483 = arith.mulf %mul3A_481, %mul3A_482 : vector<128x64xf32>
    %swap3A_484 = arith.constant 8704 : index
    %swap3A_485 = arith.constant 0 : index
    %swap3A_486 = vector.load %arg5[%swap3A_484, %swap3A_485] : memref<16384x64xf32, #tpu.memory_space<vmem>>, vector<128x64xf32>
    tpu.vector_store %arg5[%swap3A_484, %swap3A_485], %mul3A_483 {strides = array<i32>} : memref<16384x64xf32, #tpu.memory_space<vmem>>, vector<128x64xf32>,
    %slice3A_487 = vector.extract_strided_slice %transpose3A {offsets = [0, 69], sizes = [128, 1], strides = [1, 1]} : vector<128x128xf32> to vector<128x1xf32>
    %mul3A_488 = vector.broadcast %slice3A_487 : vector<128x1xf32> to vector<128x64xf32>
    %mul3A_489 = vector.broadcast %get3A_6 : vector<1x64xf32> to vector<128x64xf32>
    %mul3A_490 = arith.mulf %mul3A_488, %mul3A_489 : vector<128x64xf32>
    %swap3A_491 = arith.constant 8832 : index
    %swap3A_492 = arith.constant 0 : index
    %swap3A_493 = vector.load %arg5[%swap3A_491, %swap3A_492] : memref<16384x64xf32, #tpu.memory_space<vmem>>, vector<128x64xf32>
    tpu.vector_store %arg5[%swap3A_491, %swap3A_492], %mul3A_490 {strides = array<i32>} : memref<16384x64xf32, #tpu.memory_space<vmem>>, vector<128x64xf32>,
    %slice3A_494 = vector.extract_strided_slice %transpose3A {offsets = [0, 70], sizes = [128, 1], strides = [1, 1]} : vector<128x128xf32> to vector<128x1xf32>
    %mul3A_495 = vector.broadcast %slice3A_494 : vector<128x1xf32> to vector<128x64xf32>
    %mul3A_496 = vector.broadcast %get3A_6 : vector<1x64xf32> to vector<128x64xf32>
    %mul3A_497 = arith.mulf %mul3A_495, %mul3A_496 : vector<128x64xf32>
    %swap3A_498 = arith.constant 8960 : index
    %swap3A_499 = arith.constant 0 : index
    %swap3A_500 = vector.load %arg5[%swap3A_498, %swap3A_499] : memref<16384x64xf32, #tpu.memory_space<vmem>>, vector<128x64xf32>
    tpu.vector_store %arg5[%swap3A_498, %swap3A_499], %mul3A_497 {strides = array<i32>} : memref<16384x64xf32, #tpu.memory_space<vmem>>, vector<128x64xf32>,
    %slice3A_501 = vector.extract_strided_slice %transpose3A {offsets = [0, 71], sizes = [128, 1], strides = [1, 1]} : vector<128x128xf32> to vector<128x1xf32>
    %mul3A_502 = vector.broadcast %slice3A_501 : vector<128x1xf32> to vector<128x64xf32>
    %mul3A_503 = vector.broadcast %get3A_6 : vector<1x64xf32> to vector<128x64xf32>
    %mul3A_504 = arith.mulf %mul3A_502, %mul3A_503 : vector<128x64xf32>
    %swap3A_505 = arith.constant 9088 : index
    %swap3A_506 = arith.constant 0 : index
    %swap3A_507 = vector.load %arg5[%swap3A_505, %swap3A_506] : memref<16384x64xf32, #tpu.memory_space<vmem>>, vector<128x64xf32>
    tpu.vector_store %arg5[%swap3A_505, %swap3A_506], %mul3A_504 {strides = array<i32>} : memref<16384x64xf32, #tpu.memory_space<vmem>>, vector<128x64xf32>,
    %slice3A_508 = vector.extract_strided_slice %transpose3A {offsets = [0, 72], sizes = [128, 1], strides = [1, 1]} : vector<128x128xf32> to vector<128x1xf32>
    %mul3A_509 = vector.broadcast %slice3A_508 : vector<128x1xf32> to vector<128x64xf32>
    %mul3A_510 = vector.broadcast %get3A_6 : vector<1x64xf32> to vector<128x64xf32>
    %mul3A_511 = arith.mulf %mul3A_509, %mul3A_510 : vector<128x64xf32>
    %swap3A_512 = arith.constant 9216 : index
    %swap3A_513 = arith.constant 0 : index
    %swap3A_514 = vector.load %arg5[%swap3A_512, %swap3A_513] : memref<16384x64xf32, #tpu.memory_space<vmem>>, vector<128x64xf32>
    tpu.vector_store %arg5[%swap3A_512, %swap3A_513], %mul3A_511 {strides = array<i32>} : memref<16384x64xf32, #tpu.memory_space<vmem>>, vector<128x64xf32>,
    %slice3A_515 = vector.extract_strided_slice %transpose3A {offsets = [0, 73], sizes = [128, 1], strides = [1, 1]} : vector<128x128xf32> to vector<128x1xf32>
    %mul3A_516 = vector.broadcast %slice3A_515 : vector<128x1xf32> to vector<128x64xf32>
    %mul3A_517 = vector.broadcast %get3A_6 : vector<1x64xf32> to vector<128x64xf32>
    %mul3A_518 = arith.mulf %mul3A_516, %mul3A_517 : vector<128x64xf32>
    %swap3A_519 = arith.constant 9344 : index
    %swap3A_520 = arith.constant 0 : index
    %swap3A_521 = vector.load %arg5[%swap3A_519, %swap3A_520] : memref<16384x64xf32, #tpu.memory_space<vmem>>, vector<128x64xf32>
    tpu.vector_store %arg5[%swap3A_519, %swap3A_520], %mul3A_518 {strides = array<i32>} : memref<16384x64xf32, #tpu.memory_space<vmem>>, vector<128x64xf32>,
    %slice3A_522 = vector.extract_strided_slice %transpose3A {offsets = [0, 74], sizes = [128, 1], strides = [1, 1]} : vector<128x128xf32> to vector<128x1xf32>
    %mul3A_523 = vector.broadcast %slice3A_522 : vector<128x1xf32> to vector<128x64xf32>
    %mul3A_524 = vector.broadcast %get3A_6 : vector<1x64xf32> to vector<128x64xf32>
    %mul3A_525 = arith.mulf %mul3A_523, %mul3A_524 : vector<128x64xf32>
    %swap3A_526 = arith.constant 9472 : index
    %swap3A_527 = arith.constant 0 : index
    %swap3A_528 = vector.load %arg5[%swap3A_526, %swap3A_527] : memref<16384x64xf32, #tpu.memory_space<vmem>>, vector<128x64xf32>
    tpu.vector_store %arg5[%swap3A_526, %swap3A_527], %mul3A_525 {strides = array<i32>} : memref<16384x64xf32, #tpu.memory_space<vmem>>, vector<128x64xf32>,
    %slice3A_529 = vector.extract_strided_slice %transpose3A {offsets = [0, 75], sizes = [128, 1], strides = [1, 1]} : vector<128x128xf32> to vector<128x1xf32>
    %mul3A_530 = vector.broadcast %slice3A_529 : vector<128x1xf32> to vector<128x64xf32>
    %mul3A_531 = vector.broadcast %get3A_6 : vector<1x64xf32> to vector<128x64xf32>
    %mul3A_532 = arith.mulf %mul3A_530, %mul3A_531 : vector<128x64xf32>
    %swap3A_533 = arith.constant 9600 : index
    %swap3A_534 = arith.constant 0 : index
    %swap3A_535 = vector.load %arg5[%swap3A_533, %swap3A_534] : memref<16384x64xf32, #tpu.memory_space<vmem>>, vector<128x64xf32>
    tpu.vector_store %arg5[%swap3A_533, %swap3A_534], %mul3A_532 {strides = array<i32>} : memref<16384x64xf32, #tpu.memory_space<vmem>>, vector<128x64xf32>,
    %slice3A_536 = vector.extract_strided_slice %transpose3A {offsets = [0, 76], sizes = [128, 1], strides = [1, 1]} : vector<128x128xf32> to vector<128x1xf32>
    %mul3A_537 = vector.broadcast %slice3A_536 : vector<128x1xf32> to vector<128x64xf32>
    %mul3A_538 = vector.broadcast %get3A_6 : vector<1x64xf32> to vector<128x64xf32>
    %mul3A_539 = arith.mulf %mul3A_537, %mul3A_538 : vector<128x64xf32>
    %swap3A_540 = arith.constant 9728 : index
    %swap3A_541 = arith.constant 0 : index
    %swap3A_542 = vector.load %arg5[%swap3A_540, %swap3A_541] : memref<16384x64xf32, #tpu.memory_space<vmem>>, vector<128x64xf32>
    tpu.vector_store %arg5[%swap3A_540, %swap3A_541], %mul3A_539 {strides = array<i32>} : memref<16384x64xf32, #tpu.memory_space<vmem>>, vector<128x64xf32>,
    %slice3A_543 = vector.extract_strided_slice %transpose3A {offsets = [0, 77], sizes = [128, 1], strides = [1, 1]} : vector<128x128xf32> to vector<128x1xf32>
    %mul3A_544 = vector.broadcast %slice3A_543 : vector<128x1xf32> to vector<128x64xf32>
    %mul3A_545 = vector.broadcast %get3A_6 : vector<1x64xf32> to vector<128x64xf32>
    %mul3A_546 = arith.mulf %mul3A_544, %mul3A_545 : vector<128x64xf32>
    %swap3A_547 = arith.constant 9856 : index
    %swap3A_548 = arith.constant 0 : index
    %swap3A_549 = vector.load %arg5[%swap3A_547, %swap3A_548] : memref<16384x64xf32, #tpu.memory_space<vmem>>, vector<128x64xf32>
    tpu.vector_store %arg5[%swap3A_547, %swap3A_548], %mul3A_546 {strides = array<i32>} : memref<16384x64xf32, #tpu.memory_space<vmem>>, vector<128x64xf32>,
    %slice3A_550 = vector.extract_strided_slice %transpose3A {offsets = [0, 78], sizes = [128, 1], strides = [1, 1]} : vector<128x128xf32> to vector<128x1xf32>
    %mul3A_551 = vector.broadcast %slice3A_550 : vector<128x1xf32> to vector<128x64xf32>
    %mul3A_552 = vector.broadcast %get3A_6 : vector<1x64xf32> to vector<128x64xf32>
    %mul3A_553 = arith.mulf %mul3A_551, %mul3A_552 : vector<128x64xf32>
    %swap3A_554 = arith.constant 9984 : index
    %swap3A_555 = arith.constant 0 : index
    %swap3A_556 = vector.load %arg5[%swap3A_554, %swap3A_555] : memref<16384x64xf32, #tpu.memory_space<vmem>>, vector<128x64xf32>
    tpu.vector_store %arg5[%swap3A_554, %swap3A_555], %mul3A_553 {strides = array<i32>} : memref<16384x64xf32, #tpu.memory_space<vmem>>, vector<128x64xf32>,
    %slice3A_557 = vector.extract_strided_slice %transpose3A {offsets = [0, 79], sizes = [128, 1], strides = [1, 1]} : vector<128x128xf32> to vector<128x1xf32>
    %mul3A_558 = vector.broadcast %slice3A_557 : vector<128x1xf32> to vector<128x64xf32>
    %mul3A_559 = vector.broadcast %get3A_6 : vector<1x64xf32> to vector<128x64xf32>
    %mul3A_560 = arith.mulf %mul3A_558, %mul3A_559 : vector<128x64xf32>
    %swap3A_561 = arith.constant 10112 : index
    %swap3A_562 = arith.constant 0 : index
    %swap3A_563 = vector.load %arg5[%swap3A_561, %swap3A_562] : memref<16384x64xf32, #tpu.memory_space<vmem>>, vector<128x64xf32>
    tpu.vector_store %arg5[%swap3A_561, %swap3A_562], %mul3A_560 {strides = array<i32>} : memref<16384x64xf32, #tpu.memory_space<vmem>>, vector<128x64xf32>,
    %slice3A_564 = vector.extract_strided_slice %transpose3A {offsets = [0, 80], sizes = [128, 1], strides = [1, 1]} : vector<128x128xf32> to vector<128x1xf32>
    %mul3A_565 = vector.broadcast %slice3A_564 : vector<128x1xf32> to vector<128x64xf32>
    %mul3A_566 = vector.broadcast %get3A_6 : vector<1x64xf32> to vector<128x64xf32>
    %mul3A_567 = arith.mulf %mul3A_565, %mul3A_566 : vector<128x64xf32>
    %swap3A_568 = arith.constant 10240 : index
    %swap3A_569 = arith.constant 0 : index
    %swap3A_570 = vector.load %arg5[%swap3A_568, %swap3A_569] : memref<16384x64xf32, #tpu.memory_space<vmem>>, vector<128x64xf32>
    tpu.vector_store %arg5[%swap3A_568, %swap3A_569], %mul3A_567 {strides = array<i32>} : memref<16384x64xf32, #tpu.memory_space<vmem>>, vector<128x64xf32>,
    %slice3A_571 = vector.extract_strided_slice %transpose3A {offsets = [0, 81], sizes = [128, 1], strides = [1, 1]} : vector<128x128xf32> to vector<128x1xf32>
    %mul3A_572 = vector.broadcast %slice3A_571 : vector<128x1xf32> to vector<128x64xf32>
    %mul3A_573 = vector.broadcast %get3A_6 : vector<1x64xf32> to vector<128x64xf32>
    %mul3A_574 = arith.mulf %mul3A_572, %mul3A_573 : vector<128x64xf32>
    %swap3A_575 = arith.constant 10368 : index
    %swap3A_576 = arith.constant 0 : index
    %swap3A_577 = vector.load %arg5[%swap3A_575, %swap3A_576] : memref<16384x64xf32, #tpu.memory_space<vmem>>, vector<128x64xf32>
    tpu.vector_store %arg5[%swap3A_575, %swap3A_576], %mul3A_574 {strides = array<i32>} : memref<16384x64xf32, #tpu.memory_space<vmem>>, vector<128x64xf32>,
    %slice3A_578 = vector.extract_strided_slice %transpose3A {offsets = [0, 82], sizes = [128, 1], strides = [1, 1]} : vector<128x128xf32> to vector<128x1xf32>
    %mul3A_579 = vector.broadcast %slice3A_578 : vector<128x1xf32> to vector<128x64xf32>
    %mul3A_580 = vector.broadcast %get3A_6 : vector<1x64xf32> to vector<128x64xf32>
    %mul3A_581 = arith.mulf %mul3A_579, %mul3A_580 : vector<128x64xf32>
    %swap3A_582 = arith.constant 10496 : index
    %swap3A_583 = arith.constant 0 : index
    %swap3A_584 = vector.load %arg5[%swap3A_582, %swap3A_583] : memref<16384x64xf32, #tpu.memory_space<vmem>>, vector<128x64xf32>
    tpu.vector_store %arg5[%swap3A_582, %swap3A_583], %mul3A_581 {strides = array<i32>} : memref<16384x64xf32, #tpu.memory_space<vmem>>, vector<128x64xf32>,
    %slice3A_585 = vector.extract_strided_slice %transpose3A {offsets = [0, 83], sizes = [128, 1], strides = [1, 1]} : vector<128x128xf32> to vector<128x1xf32>
    %mul3A_586 = vector.broadcast %slice3A_585 : vector<128x1xf32> to vector<128x64xf32>
    %mul3A_587 = vector.broadcast %get3A_6 : vector<1x64xf32> to vector<128x64xf32>
    %mul3A_588 = arith.mulf %mul3A_586, %mul3A_587 : vector<128x64xf32>
    %swap3A_589 = arith.constant 10624 : index
    %swap3A_590 = arith.constant 0 : index
    %swap3A_591 = vector.load %arg5[%swap3A_589, %swap3A_590] : memref<16384x64xf32, #tpu.memory_space<vmem>>, vector<128x64xf32>
    tpu.vector_store %arg5[%swap3A_589, %swap3A_590], %mul3A_588 {strides = array<i32>} : memref<16384x64xf32, #tpu.memory_space<vmem>>, vector<128x64xf32>,
    %slice3A_592 = vector.extract_strided_slice %transpose3A {offsets = [0, 84], sizes = [128, 1], strides = [1, 1]} : vector<128x128xf32> to vector<128x1xf32>
    %mul3A_593 = vector.broadcast %slice3A_592 : vector<128x1xf32> to vector<128x64xf32>
    %mul3A_594 = vector.broadcast %get3A_6 : vector<1x64xf32> to vector<128x64xf32>
    %mul3A_595 = arith.mulf %mul3A_593, %mul3A_594 : vector<128x64xf32>
    %swap3A_596 = arith.constant 10752 : index
    %swap3A_597 = arith.constant 0 : index
    %swap3A_598 = vector.load %arg5[%swap3A_596, %swap3A_597] : memref<16384x64xf32, #tpu.memory_space<vmem>>, vector<128x64xf32>
    tpu.vector_store %arg5[%swap3A_596, %swap3A_597], %mul3A_595 {strides = array<i32>} : memref<16384x64xf32, #tpu.memory_space<vmem>>, vector<128x64xf32>,
    %slice3A_599 = vector.extract_strided_slice %transpose3A {offsets = [0, 85], sizes = [128, 1], strides = [1, 1]} : vector<128x128xf32> to vector<128x1xf32>
    %mul3A_600 = vector.broadcast %slice3A_599 : vector<128x1xf32> to vector<128x64xf32>
    %mul3A_601 = vector.broadcast %get3A_6 : vector<1x64xf32> to vector<128x64xf32>
    %mul3A_602 = arith.mulf %mul3A_600, %mul3A_601 : vector<128x64xf32>
    %swap3A_603 = arith.constant 10880 : index
    %swap3A_604 = arith.constant 0 : index
    %swap3A_605 = vector.load %arg5[%swap3A_603, %swap3A_604] : memref<16384x64xf32, #tpu.memory_space<vmem>>, vector<128x64xf32>
    tpu.vector_store %arg5[%swap3A_603, %swap3A_604], %mul3A_602 {strides = array<i32>} : memref<16384x64xf32, #tpu.memory_space<vmem>>, vector<128x64xf32>,
    %slice3A_606 = vector.extract_strided_slice %transpose3A {offsets = [0, 86], sizes = [128, 1], strides = [1, 1]} : vector<128x128xf32> to vector<128x1xf32>
    %mul3A_607 = vector.broadcast %slice3A_606 : vector<128x1xf32> to vector<128x64xf32>
    %mul3A_608 = vector.broadcast %get3A_6 : vector<1x64xf32> to vector<128x64xf32>
    %mul3A_609 = arith.mulf %mul3A_607, %mul3A_608 : vector<128x64xf32>
    %swap3A_610 = arith.constant 11008 : index
    %swap3A_611 = arith.constant 0 : index
    %swap3A_612 = vector.load %arg5[%swap3A_610, %swap3A_611] : memref<16384x64xf32, #tpu.memory_space<vmem>>, vector<128x64xf32>
    tpu.vector_store %arg5[%swap3A_610, %swap3A_611], %mul3A_609 {strides = array<i32>} : memref<16384x64xf32, #tpu.memory_space<vmem>>, vector<128x64xf32>,
    %slice3A_613 = vector.extract_strided_slice %transpose3A {offsets = [0, 87], sizes = [128, 1], strides = [1, 1]} : vector<128x128xf32> to vector<128x1xf32>
    %mul3A_614 = vector.broadcast %slice3A_613 : vector<128x1xf32> to vector<128x64xf32>
    %mul3A_615 = vector.broadcast %get3A_6 : vector<1x64xf32> to vector<128x64xf32>
    %mul3A_616 = arith.mulf %mul3A_614, %mul3A_615 : vector<128x64xf32>
    %swap3A_617 = arith.constant 11136 : index
    %swap3A_618 = arith.constant 0 : index
    %swap3A_619 = vector.load %arg5[%swap3A_617, %swap3A_618] : memref<16384x64xf32, #tpu.memory_space<vmem>>, vector<128x64xf32>
    tpu.vector_store %arg5[%swap3A_617, %swap3A_618], %mul3A_616 {strides = array<i32>} : memref<16384x64xf32, #tpu.memory_space<vmem>>, vector<128x64xf32>,
    %slice3A_620 = vector.extract_strided_slice %transpose3A {offsets = [0, 88], sizes = [128, 1], strides = [1, 1]} : vector<128x128xf32> to vector<128x1xf32>
    %mul3A_621 = vector.broadcast %slice3A_620 : vector<128x1xf32> to vector<128x64xf32>
    %mul3A_622 = vector.broadcast %get3A_6 : vector<1x64xf32> to vector<128x64xf32>
    %mul3A_623 = arith.mulf %mul3A_621, %mul3A_622 : vector<128x64xf32>
    %swap3A_624 = arith.constant 11264 : index
    %swap3A_625 = arith.constant 0 : index
    %swap3A_626 = vector.load %arg5[%swap3A_624, %swap3A_625] : memref<16384x64xf32, #tpu.memory_space<vmem>>, vector<128x64xf32>
    tpu.vector_store %arg5[%swap3A_624, %swap3A_625], %mul3A_623 {strides = array<i32>} : memref<16384x64xf32, #tpu.memory_space<vmem>>, vector<128x64xf32>,
    %slice3A_627 = vector.extract_strided_slice %transpose3A {offsets = [0, 89], sizes = [128, 1], strides = [1, 1]} : vector<128x128xf32> to vector<128x1xf32>
    %mul3A_628 = vector.broadcast %slice3A_627 : vector<128x1xf32> to vector<128x64xf32>
    %mul3A_629 = vector.broadcast %get3A_6 : vector<1x64xf32> to vector<128x64xf32>
    %mul3A_630 = arith.mulf %mul3A_628, %mul3A_629 : vector<128x64xf32>
    %swap3A_631 = arith.constant 11392 : index
    %swap3A_632 = arith.constant 0 : index
    %swap3A_633 = vector.load %arg5[%swap3A_631, %swap3A_632] : memref<16384x64xf32, #tpu.memory_space<vmem>>, vector<128x64xf32>
    tpu.vector_store %arg5[%swap3A_631, %swap3A_632], %mul3A_630 {strides = array<i32>} : memref<16384x64xf32, #tpu.memory_space<vmem>>, vector<128x64xf32>,
    %slice3A_634 = vector.extract_strided_slice %transpose3A {offsets = [0, 90], sizes = [128, 1], strides = [1, 1]} : vector<128x128xf32> to vector<128x1xf32>
    %mul3A_635 = vector.broadcast %slice3A_634 : vector<128x1xf32> to vector<128x64xf32>
    %mul3A_636 = vector.broadcast %get3A_6 : vector<1x64xf32> to vector<128x64xf32>
    %mul3A_637 = arith.mulf %mul3A_635, %mul3A_636 : vector<128x64xf32>
    %swap3A_638 = arith.constant 11520 : index
    %swap3A_639 = arith.constant 0 : index
    %swap3A_640 = vector.load %arg5[%swap3A_638, %swap3A_639] : memref<16384x64xf32, #tpu.memory_space<vmem>>, vector<128x64xf32>
    tpu.vector_store %arg5[%swap3A_638, %swap3A_639], %mul3A_637 {strides = array<i32>} : memref<16384x64xf32, #tpu.memory_space<vmem>>, vector<128x64xf32>,
    %slice3A_641 = vector.extract_strided_slice %transpose3A {offsets = [0, 91], sizes = [128, 1], strides = [1, 1]} : vector<128x128xf32> to vector<128x1xf32>
    %mul3A_642 = vector.broadcast %slice3A_641 : vector<128x1xf32> to vector<128x64xf32>
    %mul3A_643 = vector.broadcast %get3A_6 : vector<1x64xf32> to vector<128x64xf32>
    %mul3A_644 = arith.mulf %mul3A_642, %mul3A_643 : vector<128x64xf32>
    %swap3A_645 = arith.constant 11648 : index
    %swap3A_646 = arith.constant 0 : index
    %swap3A_647 = vector.load %arg5[%swap3A_645, %swap3A_646] : memref<16384x64xf32, #tpu.memory_space<vmem>>, vector<128x64xf32>
    tpu.vector_store %arg5[%swap3A_645, %swap3A_646], %mul3A_644 {strides = array<i32>} : memref<16384x64xf32, #tpu.memory_space<vmem>>, vector<128x64xf32>,
    %slice3A_648 = vector.extract_strided_slice %transpose3A {offsets = [0, 92], sizes = [128, 1], strides = [1, 1]} : vector<128x128xf32> to vector<128x1xf32>
    %mul3A_649 = vector.broadcast %slice3A_648 : vector<128x1xf32> to vector<128x64xf32>
    %mul3A_650 = vector.broadcast %get3A_6 : vector<1x64xf32> to vector<128x64xf32>
    %mul3A_651 = arith.mulf %mul3A_649, %mul3A_650 : vector<128x64xf32>
    %swap3A_652 = arith.constant 11776 : index
    %swap3A_653 = arith.constant 0 : index
    %swap3A_654 = vector.load %arg5[%swap3A_652, %swap3A_653] : memref<16384x64xf32, #tpu.memory_space<vmem>>, vector<128x64xf32>
    tpu.vector_store %arg5[%swap3A_652, %swap3A_653], %mul3A_651 {strides = array<i32>} : memref<16384x64xf32, #tpu.memory_space<vmem>>, vector<128x64xf32>,
    %slice3A_655 = vector.extract_strided_slice %transpose3A {offsets = [0, 93], sizes = [128, 1], strides = [1, 1]} : vector<128x128xf32> to vector<128x1xf32>
    %mul3A_656 = vector.broadcast %slice3A_655 : vector<128x1xf32> to vector<128x64xf32>
    %mul3A_657 = vector.broadcast %get3A_6 : vector<1x64xf32> to vector<128x64xf32>
    %mul3A_658 = arith.mulf %mul3A_656, %mul3A_657 : vector<128x64xf32>
    %swap3A_659 = arith.constant 11904 : index
    %swap3A_660 = arith.constant 0 : index
    %swap3A_661 = vector.load %arg5[%swap3A_659, %swap3A_660] : memref<16384x64xf32, #tpu.memory_space<vmem>>, vector<128x64xf32>
    tpu.vector_store %arg5[%swap3A_659, %swap3A_660], %mul3A_658 {strides = array<i32>} : memref<16384x64xf32, #tpu.memory_space<vmem>>, vector<128x64xf32>,
    %slice3A_662 = vector.extract_strided_slice %transpose3A {offsets = [0, 94], sizes = [128, 1], strides = [1, 1]} : vector<128x128xf32> to vector<128x1xf32>
    %mul3A_663 = vector.broadcast %slice3A_662 : vector<128x1xf32> to vector<128x64xf32>
    %mul3A_664 = vector.broadcast %get3A_6 : vector<1x64xf32> to vector<128x64xf32>
    %mul3A_665 = arith.mulf %mul3A_663, %mul3A_664 : vector<128x64xf32>
    %swap3A_666 = arith.constant 12032 : index
    %swap3A_667 = arith.constant 0 : index
    %swap3A_668 = vector.load %arg5[%swap3A_666, %swap3A_667] : memref<16384x64xf32, #tpu.memory_space<vmem>>, vector<128x64xf32>
    tpu.vector_store %arg5[%swap3A_666, %swap3A_667], %mul3A_665 {strides = array<i32>} : memref<16384x64xf32, #tpu.memory_space<vmem>>, vector<128x64xf32>,
    %slice3A_669 = vector.extract_strided_slice %transpose3A {offsets = [0, 95], sizes = [128, 1], strides = [1, 1]} : vector<128x128xf32> to vector<128x1xf32>
    %mul3A_670 = vector.broadcast %slice3A_669 : vector<128x1xf32> to vector<128x64xf32>
    %mul3A_671 = vector.broadcast %get3A_6 : vector<1x64xf32> to vector<128x64xf32>
    %mul3A_672 = arith.mulf %mul3A_670, %mul3A_671 : vector<128x64xf32>
    %swap3A_673 = arith.constant 12160 : index
    %swap3A_674 = arith.constant 0 : index
    %swap3A_675 = vector.load %arg5[%swap3A_673, %swap3A_674] : memref<16384x64xf32, #tpu.memory_space<vmem>>, vector<128x64xf32>
    tpu.vector_store %arg5[%swap3A_673, %swap3A_674], %mul3A_672 {strides = array<i32>} : memref<16384x64xf32, #tpu.memory_space<vmem>>, vector<128x64xf32>,
    %slice3A_676 = vector.extract_strided_slice %transpose3A {offsets = [0, 96], sizes = [128, 1], strides = [1, 1]} : vector<128x128xf32> to vector<128x1xf32>
    %mul3A_677 = vector.broadcast %slice3A_676 : vector<128x1xf32> to vector<128x64xf32>
    %mul3A_678 = vector.broadcast %get3A_6 : vector<1x64xf32> to vector<128x64xf32>
    %mul3A_679 = arith.mulf %mul3A_677, %mul3A_678 : vector<128x64xf32>
    %swap3A_680 = arith.constant 12288 : index
    %swap3A_681 = arith.constant 0 : index
    %swap3A_682 = vector.load %arg5[%swap3A_680, %swap3A_681] : memref<16384x64xf32, #tpu.memory_space<vmem>>, vector<128x64xf32>
    tpu.vector_store %arg5[%swap3A_680, %swap3A_681], %mul3A_679 {strides = array<i32>} : memref<16384x64xf32, #tpu.memory_space<vmem>>, vector<128x64xf32>,
    %slice3A_683 = vector.extract_strided_slice %transpose3A {offsets = [0, 97], sizes = [128, 1], strides = [1, 1]} : vector<128x128xf32> to vector<128x1xf32>
    %mul3A_684 = vector.broadcast %slice3A_683 : vector<128x1xf32> to vector<128x64xf32>
    %mul3A_685 = vector.broadcast %get3A_6 : vector<1x64xf32> to vector<128x64xf32>
    %mul3A_686 = arith.mulf %mul3A_684, %mul3A_685 : vector<128x64xf32>
    %swap3A_687 = arith.constant 12416 : index
    %swap3A_688 = arith.constant 0 : index
    %swap3A_689 = vector.load %arg5[%swap3A_687, %swap3A_688] : memref<16384x64xf32, #tpu.memory_space<vmem>>, vector<128x64xf32>
    tpu.vector_store %arg5[%swap3A_687, %swap3A_688], %mul3A_686 {strides = array<i32>} : memref<16384x64xf32, #tpu.memory_space<vmem>>, vector<128x64xf32>,
    %slice3A_690 = vector.extract_strided_slice %transpose3A {offsets = [0, 98], sizes = [128, 1], strides = [1, 1]} : vector<128x128xf32> to vector<128x1xf32>
    %mul3A_691 = vector.broadcast %slice3A_690 : vector<128x1xf32> to vector<128x64xf32>
    %mul3A_692 = vector.broadcast %get3A_6 : vector<1x64xf32> to vector<128x64xf32>
    %mul3A_693 = arith.mulf %mul3A_691, %mul3A_692 : vector<128x64xf32>
    %swap3A_694 = arith.constant 12544 : index
    %swap3A_695 = arith.constant 0 : index
    %swap3A_696 = vector.load %arg5[%swap3A_694, %swap3A_695] : memref<16384x64xf32, #tpu.memory_space<vmem>>, vector<128x64xf32>
    tpu.vector_store %arg5[%swap3A_694, %swap3A_695], %mul3A_693 {strides = array<i32>} : memref<16384x64xf32, #tpu.memory_space<vmem>>, vector<128x64xf32>,
    %slice3A_697 = vector.extract_strided_slice %transpose3A {offsets = [0, 99], sizes = [128, 1], strides = [1, 1]} : vector<128x128xf32> to vector<128x1xf32>
    %mul3A_698 = vector.broadcast %slice3A_697 : vector<128x1xf32> to vector<128x64xf32>
    %mul3A_699 = vector.broadcast %get3A_6 : vector<1x64xf32> to vector<128x64xf32>
    %mul3A_700 = arith.mulf %mul3A_698, %mul3A_699 : vector<128x64xf32>
    %swap3A_701 = arith.constant 12672 : index
    %swap3A_702 = arith.constant 0 : index
    %swap3A_703 = vector.load %arg5[%swap3A_701, %swap3A_702] : memref<16384x64xf32, #tpu.memory_space<vmem>>, vector<128x64xf32>
    tpu.vector_store %arg5[%swap3A_701, %swap3A_702], %mul3A_700 {strides = array<i32>} : memref<16384x64xf32, #tpu.memory_space<vmem>>, vector<128x64xf32>,
    %slice3A_704 = vector.extract_strided_slice %transpose3A {offsets = [0, 100], sizes = [128, 1], strides = [1, 1]} : vector<128x128xf32> to vector<128x1xf32>
    %mul3A_705 = vector.broadcast %slice3A_704 : vector<128x1xf32> to vector<128x64xf32>
    %mul3A_706 = vector.broadcast %get3A_6 : vector<1x64xf32> to vector<128x64xf32>
    %mul3A_707 = arith.mulf %mul3A_705, %mul3A_706 : vector<128x64xf32>
    %swap3A_708 = arith.constant 12800 : index
    %swap3A_709 = arith.constant 0 : index
    %swap3A_710 = vector.load %arg5[%swap3A_708, %swap3A_709] : memref<16384x64xf32, #tpu.memory_space<vmem>>, vector<128x64xf32>
    tpu.vector_store %arg5[%swap3A_708, %swap3A_709], %mul3A_707 {strides = array<i32>} : memref<16384x64xf32, #tpu.memory_space<vmem>>, vector<128x64xf32>,
    %slice3A_711 = vector.extract_strided_slice %transpose3A {offsets = [0, 101], sizes = [128, 1], strides = [1, 1]} : vector<128x128xf32> to vector<128x1xf32>
    %mul3A_712 = vector.broadcast %slice3A_711 : vector<128x1xf32> to vector<128x64xf32>
    %mul3A_713 = vector.broadcast %get3A_6 : vector<1x64xf32> to vector<128x64xf32>
    %mul3A_714 = arith.mulf %mul3A_712, %mul3A_713 : vector<128x64xf32>
    %swap3A_715 = arith.constant 12928 : index
    %swap3A_716 = arith.constant 0 : index
    %swap3A_717 = vector.load %arg5[%swap3A_715, %swap3A_716] : memref<16384x64xf32, #tpu.memory_space<vmem>>, vector<128x64xf32>
    tpu.vector_store %arg5[%swap3A_715, %swap3A_716], %mul3A_714 {strides = array<i32>} : memref<16384x64xf32, #tpu.memory_space<vmem>>, vector<128x64xf32>,
    %slice3A_718 = vector.extract_strided_slice %transpose3A {offsets = [0, 102], sizes = [128, 1], strides = [1, 1]} : vector<128x128xf32> to vector<128x1xf32>
    %mul3A_719 = vector.broadcast %slice3A_718 : vector<128x1xf32> to vector<128x64xf32>
    %mul3A_720 = vector.broadcast %get3A_6 : vector<1x64xf32> to vector<128x64xf32>
    %mul3A_721 = arith.mulf %mul3A_719, %mul3A_720 : vector<128x64xf32>
    %swap3A_722 = arith.constant 13056 : index
    %swap3A_723 = arith.constant 0 : index
    %swap3A_724 = vector.load %arg5[%swap3A_722, %swap3A_723] : memref<16384x64xf32, #tpu.memory_space<vmem>>, vector<128x64xf32>
    tpu.vector_store %arg5[%swap3A_722, %swap3A_723], %mul3A_721 {strides = array<i32>} : memref<16384x64xf32, #tpu.memory_space<vmem>>, vector<128x64xf32>,
    %slice3A_725 = vector.extract_strided_slice %transpose3A {offsets = [0, 103], sizes = [128, 1], strides = [1, 1]} : vector<128x128xf32> to vector<128x1xf32>
    %mul3A_726 = vector.broadcast %slice3A_725 : vector<128x1xf32> to vector<128x64xf32>
    %mul3A_727 = vector.broadcast %get3A_6 : vector<1x64xf32> to vector<128x64xf32>
    %mul3A_728 = arith.mulf %mul3A_726, %mul3A_727 : vector<128x64xf32>
    %swap3A_729 = arith.constant 13184 : index
    %swap3A_730 = arith.constant 0 : index
    %swap3A_731 = vector.load %arg5[%swap3A_729, %swap3A_730] : memref<16384x64xf32, #tpu.memory_space<vmem>>, vector<128x64xf32>
    tpu.vector_store %arg5[%swap3A_729, %swap3A_730], %mul3A_728 {strides = array<i32>} : memref<16384x64xf32, #tpu.memory_space<vmem>>, vector<128x64xf32>,
    %slice3A_732 = vector.extract_strided_slice %transpose3A {offsets = [0, 104], sizes = [128, 1], strides = [1, 1]} : vector<128x128xf32> to vector<128x1xf32>
    %mul3A_733 = vector.broadcast %slice3A_732 : vector<128x1xf32> to vector<128x64xf32>
    %mul3A_734 = vector.broadcast %get3A_6 : vector<1x64xf32> to vector<128x64xf32>
    %mul3A_735 = arith.mulf %mul3A_733, %mul3A_734 : vector<128x64xf32>
    %swap3A_736 = arith.constant 13312 : index
    %swap3A_737 = arith.constant 0 : index
    %swap3A_738 = vector.load %arg5[%swap3A_736, %swap3A_737] : memref<16384x64xf32, #tpu.memory_space<vmem>>, vector<128x64xf32>
    tpu.vector_store %arg5[%swap3A_736, %swap3A_737], %mul3A_735 {strides = array<i32>} : memref<16384x64xf32, #tpu.memory_space<vmem>>, vector<128x64xf32>,
    %slice3A_739 = vector.extract_strided_slice %transpose3A {offsets = [0, 105], sizes = [128, 1], strides = [1, 1]} : vector<128x128xf32> to vector<128x1xf32>
    %mul3A_740 = vector.broadcast %slice3A_739 : vector<128x1xf32> to vector<128x64xf32>
    %mul3A_741 = vector.broadcast %get3A_6 : vector<1x64xf32> to vector<128x64xf32>
    %mul3A_742 = arith.mulf %mul3A_740, %mul3A_741 : vector<128x64xf32>
    %swap3A_743 = arith.constant 13440 : index
    %swap3A_744 = arith.constant 0 : index
    %swap3A_745 = vector.load %arg5[%swap3A_743, %swap3A_744] : memref<16384x64xf32, #tpu.memory_space<vmem>>, vector<128x64xf32>
    tpu.vector_store %arg5[%swap3A_743, %swap3A_744], %mul3A_742 {strides = array<i32>} : memref<16384x64xf32, #tpu.memory_space<vmem>>, vector<128x64xf32>,
    %slice3A_746 = vector.extract_strided_slice %transpose3A {offsets = [0, 106], sizes = [128, 1], strides = [1, 1]} : vector<128x128xf32> to vector<128x1xf32>
    %mul3A_747 = vector.broadcast %slice3A_746 : vector<128x1xf32> to vector<128x64xf32>
    %mul3A_748 = vector.broadcast %get3A_6 : vector<1x64xf32> to vector<128x64xf32>
    %mul3A_749 = arith.mulf %mul3A_747, %mul3A_748 : vector<128x64xf32>
    %swap3A_750 = arith.constant 13568 : index
    %swap3A_751 = arith.constant 0 : index
    %swap3A_752 = vector.load %arg5[%swap3A_750, %swap3A_751] : memref<16384x64xf32, #tpu.memory_space<vmem>>, vector<128x64xf32>
    tpu.vector_store %arg5[%swap3A_750, %swap3A_751], %mul3A_749 {strides = array<i32>} : memref<16384x64xf32, #tpu.memory_space<vmem>>, vector<128x64xf32>,
    %slice3A_753 = vector.extract_strided_slice %transpose3A {offsets = [0, 107], sizes = [128, 1], strides = [1, 1]} : vector<128x128xf32> to vector<128x1xf32>
    %mul3A_754 = vector.broadcast %slice3A_753 : vector<128x1xf32> to vector<128x64xf32>
    %mul3A_755 = vector.broadcast %get3A_6 : vector<1x64xf32> to vector<128x64xf32>
    %mul3A_756 = arith.mulf %mul3A_754, %mul3A_755 : vector<128x64xf32>
    %swap3A_757 = arith.constant 13696 : index
    %swap3A_758 = arith.constant 0 : index
    %swap3A_759 = vector.load %arg5[%swap3A_757, %swap3A_758] : memref<16384x64xf32, #tpu.memory_space<vmem>>, vector<128x64xf32>
    tpu.vector_store %arg5[%swap3A_757, %swap3A_758], %mul3A_756 {strides = array<i32>} : memref<16384x64xf32, #tpu.memory_space<vmem>>, vector<128x64xf32>,
    %slice3A_760 = vector.extract_strided_slice %transpose3A {offsets = [0, 108], sizes = [128, 1], strides = [1, 1]} : vector<128x128xf32> to vector<128x1xf32>
    %mul3A_761 = vector.broadcast %slice3A_760 : vector<128x1xf32> to vector<128x64xf32>
    %mul3A_762 = vector.broadcast %get3A_6 : vector<1x64xf32> to vector<128x64xf32>
    %mul3A_763 = arith.mulf %mul3A_761, %mul3A_762 : vector<128x64xf32>
    %swap3A_764 = arith.constant 13824 : index
    %swap3A_765 = arith.constant 0 : index
    %swap3A_766 = vector.load %arg5[%swap3A_764, %swap3A_765] : memref<16384x64xf32, #tpu.memory_space<vmem>>, vector<128x64xf32>
    tpu.vector_store %arg5[%swap3A_764, %swap3A_765], %mul3A_763 {strides = array<i32>} : memref<16384x64xf32, #tpu.memory_space<vmem>>, vector<128x64xf32>,
    %slice3A_767 = vector.extract_strided_slice %transpose3A {offsets = [0, 109], sizes = [128, 1], strides = [1, 1]} : vector<128x128xf32> to vector<128x1xf32>
    %mul3A_768 = vector.broadcast %slice3A_767 : vector<128x1xf32> to vector<128x64xf32>
    %mul3A_769 = vector.broadcast %get3A_6 : vector<1x64xf32> to vector<128x64xf32>
    %mul3A_770 = arith.mulf %mul3A_768, %mul3A_769 : vector<128x64xf32>
    %swap3A_771 = arith.constant 13952 : index
    %swap3A_772 = arith.constant 0 : index
    %swap3A_773 = vector.load %arg5[%swap3A_771, %swap3A_772] : memref<16384x64xf32, #tpu.memory_space<vmem>>, vector<128x64xf32>
    tpu.vector_store %arg5[%swap3A_771, %swap3A_772], %mul3A_770 {strides = array<i32>} : memref<16384x64xf32, #tpu.memory_space<vmem>>, vector<128x64xf32>,
    %slice3A_774 = vector.extract_strided_slice %transpose3A {offsets = [0, 110], sizes = [128, 1], strides = [1, 1]} : vector<128x128xf32> to vector<128x1xf32>
    %mul3A_775 = vector.broadcast %slice3A_774 : vector<128x1xf32> to vector<128x64xf32>
    %mul3A_776 = vector.broadcast %get3A_6 : vector<1x64xf32> to vector<128x64xf32>
    %mul3A_777 = arith.mulf %mul3A_775, %mul3A_776 : vector<128x64xf32>
    %swap3A_778 = arith.constant 14080 : index
    %swap3A_779 = arith.constant 0 : index
    %swap3A_780 = vector.load %arg5[%swap3A_778, %swap3A_779] : memref<16384x64xf32, #tpu.memory_space<vmem>>, vector<128x64xf32>
    tpu.vector_store %arg5[%swap3A_778, %swap3A_779], %mul3A_777 {strides = array<i32>} : memref<16384x64xf32, #tpu.memory_space<vmem>>, vector<128x64xf32>,
    %slice3A_781 = vector.extract_strided_slice %transpose3A {offsets = [0, 111], sizes = [128, 1], strides = [1, 1]} : vector<128x128xf32> to vector<128x1xf32>
    %mul3A_782 = vector.broadcast %slice3A_781 : vector<128x1xf32> to vector<128x64xf32>
    %mul3A_783 = vector.broadcast %get3A_6 : vector<1x64xf32> to vector<128x64xf32>
    %mul3A_784 = arith.mulf %mul3A_782, %mul3A_783 : vector<128x64xf32>
    %swap3A_785 = arith.constant 14208 : index
    %swap3A_786 = arith.constant 0 : index
    %swap3A_787 = vector.load %arg5[%swap3A_785, %swap3A_786] : memref<16384x64xf32, #tpu.memory_space<vmem>>, vector<128x64xf32>
    tpu.vector_store %arg5[%swap3A_785, %swap3A_786], %mul3A_784 {strides = array<i32>} : memref<16384x64xf32, #tpu.memory_space<vmem>>, vector<128x64xf32>,
    %slice3A_788 = vector.extract_strided_slice %transpose3A {offsets = [0, 112], sizes = [128, 1], strides = [1, 1]} : vector<128x128xf32> to vector<128x1xf32>
    %mul3A_789 = vector.broadcast %slice3A_788 : vector<128x1xf32> to vector<128x64xf32>
    %mul3A_790 = vector.broadcast %get3A_6 : vector<1x64xf32> to vector<128x64xf32>
    %mul3A_791 = arith.mulf %mul3A_789, %mul3A_790 : vector<128x64xf32>
    %swap3A_792 = arith.constant 14336 : index
    %swap3A_793 = arith.constant 0 : index
    %swap3A_794 = vector.load %arg5[%swap3A_792, %swap3A_793] : memref<16384x64xf32, #tpu.memory_space<vmem>>, vector<128x64xf32>
    tpu.vector_store %arg5[%swap3A_792, %swap3A_793], %mul3A_791 {strides = array<i32>} : memref<16384x64xf32, #tpu.memory_space<vmem>>, vector<128x64xf32>,
    %slice3A_795 = vector.extract_strided_slice %transpose3A {offsets = [0, 113], sizes = [128, 1], strides = [1, 1]} : vector<128x128xf32> to vector<128x1xf32>
    %mul3A_796 = vector.broadcast %slice3A_795 : vector<128x1xf32> to vector<128x64xf32>
    %mul3A_797 = vector.broadcast %get3A_6 : vector<1x64xf32> to vector<128x64xf32>
    %mul3A_798 = arith.mulf %mul3A_796, %mul3A_797 : vector<128x64xf32>
    %swap3A_799 = arith.constant 14464 : index
    %swap3A_800 = arith.constant 0 : index
    %swap3A_801 = vector.load %arg5[%swap3A_799, %swap3A_800] : memref<16384x64xf32, #tpu.memory_space<vmem>>, vector<128x64xf32>
    tpu.vector_store %arg5[%swap3A_799, %swap3A_800], %mul3A_798 {strides = array<i32>} : memref<16384x64xf32, #tpu.memory_space<vmem>>, vector<128x64xf32>,
    %slice3A_802 = vector.extract_strided_slice %transpose3A {offsets = [0, 114], sizes = [128, 1], strides = [1, 1]} : vector<128x128xf32> to vector<128x1xf32>
    %mul3A_803 = vector.broadcast %slice3A_802 : vector<128x1xf32> to vector<128x64xf32>
    %mul3A_804 = vector.broadcast %get3A_6 : vector<1x64xf32> to vector<128x64xf32>
    %mul3A_805 = arith.mulf %mul3A_803, %mul3A_804 : vector<128x64xf32>
    %swap3A_806 = arith.constant 14592 : index
    %swap3A_807 = arith.constant 0 : index
    %swap3A_808 = vector.load %arg5[%swap3A_806, %swap3A_807] : memref<16384x64xf32, #tpu.memory_space<vmem>>, vector<128x64xf32>
    tpu.vector_store %arg5[%swap3A_806, %swap3A_807], %mul3A_805 {strides = array<i32>} : memref<16384x64xf32, #tpu.memory_space<vmem>>, vector<128x64xf32>,
    %slice3A_809 = vector.extract_strided_slice %transpose3A {offsets = [0, 115], sizes = [128, 1], strides = [1, 1]} : vector<128x128xf32> to vector<128x1xf32>
    %mul3A_810 = vector.broadcast %slice3A_809 : vector<128x1xf32> to vector<128x64xf32>
    %mul3A_811 = vector.broadcast %get3A_6 : vector<1x64xf32> to vector<128x64xf32>
    %mul3A_812 = arith.mulf %mul3A_810, %mul3A_811 : vector<128x64xf32>
    %swap3A_813 = arith.constant 14720 : index
    %swap3A_814 = arith.constant 0 : index
    %swap3A_815 = vector.load %arg5[%swap3A_813, %swap3A_814] : memref<16384x64xf32, #tpu.memory_space<vmem>>, vector<128x64xf32>
    tpu.vector_store %arg5[%swap3A_813, %swap3A_814], %mul3A_812 {strides = array<i32>} : memref<16384x64xf32, #tpu.memory_space<vmem>>, vector<128x64xf32>,
    %slice3A_816 = vector.extract_strided_slice %transpose3A {offsets = [0, 116], sizes = [128, 1], strides = [1, 1]} : vector<128x128xf32> to vector<128x1xf32>
    %mul3A_817 = vector.broadcast %slice3A_816 : vector<128x1xf32> to vector<128x64xf32>
    %mul3A_818 = vector.broadcast %get3A_6 : vector<1x64xf32> to vector<128x64xf32>
    %mul3A_819 = arith.mulf %mul3A_817, %mul3A_818 : vector<128x64xf32>
    %swap3A_820 = arith.constant 14848 : index
    %swap3A_821 = arith.constant 0 : index
    %swap3A_822 = vector.load %arg5[%swap3A_820, %swap3A_821] : memref<16384x64xf32, #tpu.memory_space<vmem>>, vector<128x64xf32>
    tpu.vector_store %arg5[%swap3A_820, %swap3A_821], %mul3A_819 {strides = array<i32>} : memref<16384x64xf32, #tpu.memory_space<vmem>>, vector<128x64xf32>,
    %slice3A_823 = vector.extract_strided_slice %transpose3A {offsets = [0, 117], sizes = [128, 1], strides = [1, 1]} : vector<128x128xf32> to vector<128x1xf32>
    %mul3A_824 = vector.broadcast %slice3A_823 : vector<128x1xf32> to vector<128x64xf32>
    %mul3A_825 = vector.broadcast %get3A_6 : vector<1x64xf32> to vector<128x64xf32>
    %mul3A_826 = arith.mulf %mul3A_824, %mul3A_825 : vector<128x64xf32>
    %swap3A_827 = arith.constant 14976 : index
    %swap3A_828 = arith.constant 0 : index
    %swap3A_829 = vector.load %arg5[%swap3A_827, %swap3A_828] : memref<16384x64xf32, #tpu.memory_space<vmem>>, vector<128x64xf32>
    tpu.vector_store %arg5[%swap3A_827, %swap3A_828], %mul3A_826 {strides = array<i32>} : memref<16384x64xf32, #tpu.memory_space<vmem>>, vector<128x64xf32>,
    %slice3A_830 = vector.extract_strided_slice %transpose3A {offsets = [0, 118], sizes = [128, 1], strides = [1, 1]} : vector<128x128xf32> to vector<128x1xf32>
    %mul3A_831 = vector.broadcast %slice3A_830 : vector<128x1xf32> to vector<128x64xf32>
    %mul3A_832 = vector.broadcast %get3A_6 : vector<1x64xf32> to vector<128x64xf32>
    %mul3A_833 = arith.mulf %mul3A_831, %mul3A_832 : vector<128x64xf32>
    %swap3A_834 = arith.constant 15104 : index
    %swap3A_835 = arith.constant 0 : index
    %swap3A_836 = vector.load %arg5[%swap3A_834, %swap3A_835] : memref<16384x64xf32, #tpu.memory_space<vmem>>, vector<128x64xf32>
    tpu.vector_store %arg5[%swap3A_834, %swap3A_835], %mul3A_833 {strides = array<i32>} : memref<16384x64xf32, #tpu.memory_space<vmem>>, vector<128x64xf32>,
    %slice3A_837 = vector.extract_strided_slice %transpose3A {offsets = [0, 119], sizes = [128, 1], strides = [1, 1]} : vector<128x128xf32> to vector<128x1xf32>
    %mul3A_838 = vector.broadcast %slice3A_837 : vector<128x1xf32> to vector<128x64xf32>
    %mul3A_839 = vector.broadcast %get3A_6 : vector<1x64xf32> to vector<128x64xf32>
    %mul3A_840 = arith.mulf %mul3A_838, %mul3A_839 : vector<128x64xf32>
    %swap3A_841 = arith.constant 15232 : index
    %swap3A_842 = arith.constant 0 : index
    %swap3A_843 = vector.load %arg5[%swap3A_841, %swap3A_842] : memref<16384x64xf32, #tpu.memory_space<vmem>>, vector<128x64xf32>
    tpu.vector_store %arg5[%swap3A_841, %swap3A_842], %mul3A_840 {strides = array<i32>} : memref<16384x64xf32, #tpu.memory_space<vmem>>, vector<128x64xf32>,
    %slice3A_844 = vector.extract_strided_slice %transpose3A {offsets = [0, 120], sizes = [128, 1], strides = [1, 1]} : vector<128x128xf32> to vector<128x1xf32>
    %mul3A_845 = vector.broadcast %slice3A_844 : vector<128x1xf32> to vector<128x64xf32>
    %mul3A_846 = vector.broadcast %get3A_6 : vector<1x64xf32> to vector<128x64xf32>
    %mul3A_847 = arith.mulf %mul3A_845, %mul3A_846 : vector<128x64xf32>
    %swap3A_848 = arith.constant 15360 : index
    %swap3A_849 = arith.constant 0 : index
    %swap3A_850 = vector.load %arg5[%swap3A_848, %swap3A_849] : memref<16384x64xf32, #tpu.memory_space<vmem>>, vector<128x64xf32>
    tpu.vector_store %arg5[%swap3A_848, %swap3A_849], %mul3A_847 {strides = array<i32>} : memref<16384x64xf32, #tpu.memory_space<vmem>>, vector<128x64xf32>,
    %slice3A_851 = vector.extract_strided_slice %transpose3A {offsets = [0, 121], sizes = [128, 1], strides = [1, 1]} : vector<128x128xf32> to vector<128x1xf32>
    %mul3A_852 = vector.broadcast %slice3A_851 : vector<128x1xf32> to vector<128x64xf32>
    %mul3A_853 = vector.broadcast %get3A_6 : vector<1x64xf32> to vector<128x64xf32>
    %mul3A_854 = arith.mulf %mul3A_852, %mul3A_853 : vector<128x64xf32>
    %swap3A_855 = arith.constant 15488 : index
    %swap3A_856 = arith.constant 0 : index
    %swap3A_857 = vector.load %arg5[%swap3A_855, %swap3A_856] : memref<16384x64xf32, #tpu.memory_space<vmem>>, vector<128x64xf32>
    tpu.vector_store %arg5[%swap3A_855, %swap3A_856], %mul3A_854 {strides = array<i32>} : memref<16384x64xf32, #tpu.memory_space<vmem>>, vector<128x64xf32>,
    %slice3A_858 = vector.extract_strided_slice %transpose3A {offsets = [0, 122], sizes = [128, 1], strides = [1, 1]} : vector<128x128xf32> to vector<128x1xf32>
    %mul3A_859 = vector.broadcast %slice3A_858 : vector<128x1xf32> to vector<128x64xf32>
    %mul3A_860 = vector.broadcast %get3A_6 : vector<1x64xf32> to vector<128x64xf32>
    %mul3A_861 = arith.mulf %mul3A_859, %mul3A_860 : vector<128x64xf32>
    %swap3A_862 = arith.constant 15616 : index
    %swap3A_863 = arith.constant 0 : index
    %swap3A_864 = vector.load %arg5[%swap3A_862, %swap3A_863] : memref<16384x64xf32, #tpu.memory_space<vmem>>, vector<128x64xf32>
    tpu.vector_store %arg5[%swap3A_862, %swap3A_863], %mul3A_861 {strides = array<i32>} : memref<16384x64xf32, #tpu.memory_space<vmem>>, vector<128x64xf32>,
    %slice3A_865 = vector.extract_strided_slice %transpose3A {offsets = [0, 123], sizes = [128, 1], strides = [1, 1]} : vector<128x128xf32> to vector<128x1xf32>
    %mul3A_866 = vector.broadcast %slice3A_865 : vector<128x1xf32> to vector<128x64xf32>
    %mul3A_867 = vector.broadcast %get3A_6 : vector<1x64xf32> to vector<128x64xf32>
    %mul3A_868 = arith.mulf %mul3A_866, %mul3A_867 : vector<128x64xf32>
    %swap3A_869 = arith.constant 15744 : index
    %swap3A_870 = arith.constant 0 : index
    %swap3A_871 = vector.load %arg5[%swap3A_869, %swap3A_870] : memref<16384x64xf32, #tpu.memory_space<vmem>>, vector<128x64xf32>
    tpu.vector_store %arg5[%swap3A_869, %swap3A_870], %mul3A_868 {strides = array<i32>} : memref<16384x64xf32, #tpu.memory_space<vmem>>, vector<128x64xf32>,
    %slice3A_872 = vector.extract_strided_slice %transpose3A {offsets = [0, 124], sizes = [128, 1], strides = [1, 1]} : vector<128x128xf32> to vector<128x1xf32>
    %mul3A_873 = vector.broadcast %slice3A_872 : vector<128x1xf32> to vector<128x64xf32>
    %mul3A_874 = vector.broadcast %get3A_6 : vector<1x64xf32> to vector<128x64xf32>
    %mul3A_875 = arith.mulf %mul3A_873, %mul3A_874 : vector<128x64xf32>
    %swap3A_876 = arith.constant 15872 : index
    %swap3A_877 = arith.constant 0 : index
    %swap3A_878 = vector.load %arg5[%swap3A_876, %swap3A_877] : memref<16384x64xf32, #tpu.memory_space<vmem>>, vector<128x64xf32>
    tpu.vector_store %arg5[%swap3A_876, %swap3A_877], %mul3A_875 {strides = array<i32>} : memref<16384x64xf32, #tpu.memory_space<vmem>>, vector<128x64xf32>,
    %slice3A_879 = vector.extract_strided_slice %transpose3A {offsets = [0, 125], sizes = [128, 1], strides = [1, 1]} : vector<128x128xf32> to vector<128x1xf32>
    %mul3A_880 = vector.broadcast %slice3A_879 : vector<128x1xf32> to vector<128x64xf32>
    %mul3A_881 = vector.broadcast %get3A_6 : vector<1x64xf32> to vector<128x64xf32>
    %mul3A_882 = arith.mulf %mul3A_880, %mul3A_881 : vector<128x64xf32>
    %swap3A_883 = arith.constant 16000 : index
    %swap3A_884 = arith.constant 0 : index
    %swap3A_885 = vector.load %arg5[%swap3A_883, %swap3A_884] : memref<16384x64xf32, #tpu.memory_space<vmem>>, vector<128x64xf32>
    tpu.vector_store %arg5[%swap3A_883, %swap3A_884], %mul3A_882 {strides = array<i32>} : memref<16384x64xf32, #tpu.memory_space<vmem>>, vector<128x64xf32>,
    %slice3A_886 = vector.extract_strided_slice %transpose3A {offsets = [0, 126], sizes = [128, 1], strides = [1, 1]} : vector<128x128xf32> to vector<128x1xf32>
    %mul3A_887 = vector.broadcast %slice3A_886 : vector<128x1xf32> to vector<128x64xf32>
    %mul3A_888 = vector.broadcast %get3A_6 : vector<1x64xf32> to vector<128x64xf32>
    %mul3A_889 = arith.mulf %mul3A_887, %mul3A_888 : vector<128x64xf32>
    %swap3A_890 = arith.constant 16128 : index
    %swap3A_891 = arith.constant 0 : index
    %swap3A_892 = vector.load %arg5[%swap3A_890, %swap3A_891] : memref<16384x64xf32, #tpu.memory_space<vmem>>, vector<128x64xf32>
    tpu.vector_store %arg5[%swap3A_890, %swap3A_891], %mul3A_889 {strides = array<i32>} : memref<16384x64xf32, #tpu.memory_space<vmem>>, vector<128x64xf32>,
    %slice3A_893 = vector.extract_strided_slice %transpose3A {offsets = [0, 127], sizes = [128, 1], strides = [1, 1]} : vector<128x128xf32> to vector<128x1xf32>
    %mul3A_894 = vector.broadcast %slice3A_893 : vector<128x1xf32> to vector<128x64xf32>
    %mul3A_895 = vector.broadcast %get3A_6 : vector<1x64xf32> to vector<128x64xf32>
    %mul3A_896 = arith.mulf %mul3A_894, %mul3A_895 : vector<128x64xf32>
    %swap3A_897 = arith.constant 16256 : index
    %swap3A_898 = arith.constant 0 : index
    %swap3A_899 = vector.load %arg5[%swap3A_897, %swap3A_898] : memref<16384x64xf32, #tpu.memory_space<vmem>>, vector<128x64xf32>
    tpu.vector_store %arg5[%swap3A_897, %swap3A_898], %mul3A_896 {strides = array<i32>} : memref<16384x64xf32, #tpu.memory_space<vmem>>, vector<128x64xf32>,
    %scan3A = arith.constant 0 : i32
    %scan3A_900 = arith.constant 512 : i32
    %scan3A_901 = arith.addi %scan3A, %scan3A_900 : i32
    %scan3A_902 = arith.constant 8 : i32
    scf.for %scan3A_917 = %scan3A to %scan3A_901 step %scan3A_902  : i32 {
      %get3A_918 = arith.index_cast %arg0 : i32 to index
      %get3A_919 = arith.index_cast %scan3A_917 : i32 to index
      %get3A_920 = memref.load %arg1[%get3A_918, %get3A_919] : memref<16x512xi32, #tpu.memory_space<smem>>
      %get3A_921 = arith.index_cast %get3A_920 : i32 to index
      %get3A_922 = arith.constant 0 : index
      %get3A_923 = vector.load %arg5[%get3A_921, %get3A_922] : memref<16384x64xf32, #tpu.memory_space<vmem>>, vector<1x64xf32>
      %get3A_924 = arith.constant 0 : index
      %get3A_925 = arith.index_cast %scan3A_917 : i32 to index
      %get3A_926 = arith.constant 0 : index
      %get3A_927 = vector.load %arg3[%get3A_924, %get3A_925, %get3A_926] : memref<1x512x64xf32, #tpu.memory_space<vmem>>, vector<1x1x64xf32>
      %get3A_928 = vector.shape_cast %get3A_927 : vector<1x1x64xf32> to vector<1x64xf32>
      %add3A = arith.addf %get3A_923, %get3A_928 : vector<1x64xf32>
      %swap3A_929 = arith.index_cast %get3A_920 : i32 to index
      %swap3A_930 = arith.constant 0 : index
      %swap3A_931 = vector.load %arg5[%swap3A_929, %swap3A_930] : memref<16384x64xf32, #tpu.memory_space<vmem>>, vector<1x64xf32>
      tpu.vector_store %arg5[%swap3A_929, %swap3A_930], %add3A {strides = array<i32>} : memref<16384x64xf32, #tpu.memory_space<vmem>>, vector<1x64xf32>,
      %scan3A_932 = arith.constant 1 : i32
      %scan3A_933 = arith.addi %scan3A_917, %scan3A_932 : i32
      %get3A_934 = arith.index_cast %arg0 : i32 to index
      %get3A_935 = arith.index_cast %scan3A_933 : i32 to index
      %get3A_936 = memref.load %arg1[%get3A_934, %get3A_935] : memref<16x512xi32, #tpu.memory_space<smem>>
      %get3A_937 = arith.index_cast %get3A_936 : i32 to index
      %get3A_938 = arith.constant 0 : index
      %get3A_939 = vector.load %arg5[%get3A_937, %get3A_938] : memref<16384x64xf32, #tpu.memory_space<vmem>>, vector<1x64xf32>
      %get3A_940 = arith.constant 0 : index
      %get3A_941 = arith.index_cast %scan3A_933 : i32 to index
      %get3A_942 = arith.constant 0 : index
      %get3A_943 = vector.load %arg3[%get3A_940, %get3A_941, %get3A_942] : memref<1x512x64xf32, #tpu.memory_space<vmem>>, vector<1x1x64xf32>
      %get3A_944 = vector.shape_cast %get3A_943 : vector<1x1x64xf32> to vector<1x64xf32>
      %add3A_945 = arith.addf %get3A_939, %get3A_944 : vector<1x64xf32>
      %swap3A_946 = arith.index_cast %get3A_936 : i32 to index
      %swap3A_947 = arith.constant 0 : index
      %swap3A_948 = vector.load %arg5[%swap3A_946, %swap3A_947] : memref<16384x64xf32, #tpu.memory_space<vmem>>, vector<1x64xf32>
      tpu.vector_store %arg5[%swap3A_946, %swap3A_947], %add3A_945 {strides = array<i32>} : memref<16384x64xf32, #tpu.memory_space<vmem>>, vector<1x64xf32>,
      %scan3A_949 = arith.constant 2 : i32
      %scan3A_950 = arith.addi %scan3A_917, %scan3A_949 : i32
      %get3A_951 = arith.index_cast %arg0 : i32 to index
      %get3A_952 = arith.index_cast %scan3A_950 : i32 to index
      %get3A_953 = memref.load %arg1[%get3A_951, %get3A_952] : memref<16x512xi32, #tpu.memory_space<smem>>
      %get3A_954 = arith.index_cast %get3A_953 : i32 to index
      %get3A_955 = arith.constant 0 : index
      %get3A_956 = vector.load %arg5[%get3A_954, %get3A_955] : memref<16384x64xf32, #tpu.memory_space<vmem>>, vector<1x64xf32>
      %get3A_957 = arith.constant 0 : index
      %get3A_958 = arith.index_cast %scan3A_950 : i32 to index
      %get3A_959 = arith.constant 0 : index
      %get3A_960 = vector.load %arg3[%get3A_957, %get3A_958, %get3A_959] : memref<1x512x64xf32, #tpu.memory_space<vmem>>, vector<1x1x64xf32>
      %get3A_961 = vector.shape_cast %get3A_960 : vector<1x1x64xf32> to vector<1x64xf32>
      %add3A_962 = arith.addf %get3A_956, %get3A_961 : vector<1x64xf32>
      %swap3A_963 = arith.index_cast %get3A_953 : i32 to index
      %swap3A_964 = arith.constant 0 : index
      %swap3A_965 = vector.load %arg5[%swap3A_963, %swap3A_964] : memref<16384x64xf32, #tpu.memory_space<vmem>>, vector<1x64xf32>
      tpu.vector_store %arg5[%swap3A_963, %swap3A_964], %add3A_962 {strides = array<i32>} : memref<16384x64xf32, #tpu.memory_space<vmem>>, vector<1x64xf32>,
      %scan3A_966 = arith.constant 3 : i32
      %scan3A_967 = arith.addi %scan3A_917, %scan3A_966 : i32
      %get3A_968 = arith.index_cast %arg0 : i32 to index
      %get3A_969 = arith.index_cast %scan3A_967 : i32 to index
      %get3A_970 = memref.load %arg1[%get3A_968, %get3A_969] : memref<16x512xi32, #tpu.memory_space<smem>>
      %get3A_971 = arith.index_cast %get3A_970 : i32 to index
      %get3A_972 = arith.constant 0 : index
      %get3A_973 = vector.load %arg5[%get3A_971, %get3A_972] : memref<16384x64xf32, #tpu.memory_space<vmem>>, vector<1x64xf32>
      %get3A_974 = arith.constant 0 : index
      %get3A_975 = arith.index_cast %scan3A_967 : i32 to index
      %get3A_976 = arith.constant 0 : index
      %get3A_977 = vector.load %arg3[%get3A_974, %get3A_975, %get3A_976] : memref<1x512x64xf32, #tpu.memory_space<vmem>>, vector<1x1x64xf32>
      %get3A_978 = vector.shape_cast %get3A_977 : vector<1x1x64xf32> to vector<1x64xf32>
      %add3A_979 = arith.addf %get3A_973, %get3A_978 : vector<1x64xf32>
      %swap3A_980 = arith.index_cast %get3A_970 : i32 to index
      %swap3A_981 = arith.constant 0 : index
      %swap3A_982 = vector.load %arg5[%swap3A_980, %swap3A_981] : memref<16384x64xf32, #tpu.memory_space<vmem>>, vector<1x64xf32>
      tpu.vector_store %arg5[%swap3A_980, %swap3A_981], %add3A_979 {strides = array<i32>} : memref<16384x64xf32, #tpu.memory_space<vmem>>, vector<1x64xf32>,
      %scan3A_983 = arith.constant 4 : i32
      %scan3A_984 = arith.addi %scan3A_917, %scan3A_983 : i32
      %get3A_985 = arith.index_cast %arg0 : i32 to index
      %get3A_986 = arith.index_cast %scan3A_984 : i32 to index
      %get3A_987 = memref.load %arg1[%get3A_985, %get3A_986] : memref<16x512xi32, #tpu.memory_space<smem>>
      %get3A_988 = arith.index_cast %get3A_987 : i32 to index
      %get3A_989 = arith.constant 0 : index
      %get3A_990 = vector.load %arg5[%get3A_988, %get3A_989] : memref<16384x64xf32, #tpu.memory_space<vmem>>, vector<1x64xf32>
      %get3A_991 = arith.constant 0 : index
      %get3A_992 = arith.index_cast %scan3A_984 : i32 to index
      %get3A_993 = arith.constant 0 : index
      %get3A_994 = vector.load %arg3[%get3A_991, %get3A_992, %get3A_993] : memref<1x512x64xf32, #tpu.memory_space<vmem>>, vector<1x1x64xf32>
      %get3A_995 = vector.shape_cast %get3A_994 : vector<1x1x64xf32> to vector<1x64xf32>
      %add3A_996 = arith.addf %get3A_990, %get3A_995 : vector<1x64xf32>
      %swap3A_997 = arith.index_cast %get3A_987 : i32 to index
      %swap3A_998 = arith.constant 0 : index
      %swap3A_999 = vector.load %arg5[%swap3A_997, %swap3A_998] : memref<16384x64xf32, #tpu.memory_space<vmem>>, vector<1x64xf32>
      tpu.vector_store %arg5[%swap3A_997, %swap3A_998], %add3A_996 {strides = array<i32>} : memref<16384x64xf32, #tpu.memory_space<vmem>>, vector<1x64xf32>,
      %scan3A_1000 = arith.constant 5 : i32
      %scan3A_1001 = arith.addi %scan3A_917, %scan3A_1000 : i32
      %get3A_1002 = arith.index_cast %arg0 : i32 to index
      %get3A_1003 = arith.index_cast %scan3A_1001 : i32 to index
      %get3A_1004 = memref.load %arg1[%get3A_1002, %get3A_1003] : memref<16x512xi32, #tpu.memory_space<smem>>
      %get3A_1005 = arith.index_cast %get3A_1004 : i32 to index
      %get3A_1006 = arith.constant 0 : index
      %get3A_1007 = vector.load %arg5[%get3A_1005, %get3A_1006] : memref<16384x64xf32, #tpu.memory_space<vmem>>, vector<1x64xf32>
      %get3A_1008 = arith.constant 0 : index
      %get3A_1009 = arith.index_cast %scan3A_1001 : i32 to index
      %get3A_1010 = arith.constant 0 : index
      %get3A_1011 = vector.load %arg3[%get3A_1008, %get3A_1009, %get3A_1010] : memref<1x512x64xf32, #tpu.memory_space<vmem>>, vector<1x1x64xf32>
      %get3A_1012 = vector.shape_cast %get3A_1011 : vector<1x1x64xf32> to vector<1x64xf32>
      %add3A_1013 = arith.addf %get3A_1007, %get3A_1012 : vector<1x64xf32>
      %swap3A_1014 = arith.index_cast %get3A_1004 : i32 to index
      %swap3A_1015 = arith.constant 0 : index
      %swap3A_1016 = vector.load %arg5[%swap3A_1014, %swap3A_1015] : memref<16384x64xf32, #tpu.memory_space<vmem>>, vector<1x64xf32>
      tpu.vector_store %arg5[%swap3A_1014, %swap3A_1015], %add3A_1013 {strides = array<i32>} : memref<16384x64xf32, #tpu.memory_space<vmem>>, vector<1x64xf32>,
      %scan3A_1017 = arith.constant 6 : i32
      %scan3A_1018 = arith.addi %scan3A_917, %scan3A_1017 : i32
      %get3A_1019 = arith.index_cast %arg0 : i32 to index
      %get3A_1020 = arith.index_cast %scan3A_1018 : i32 to index
      %get3A_1021 = memref.load %arg1[%get3A_1019, %get3A_1020] : memref<16x512xi32, #tpu.memory_space<smem>>
      %get3A_1022 = arith.index_cast %get3A_1021 : i32 to index
      %get3A_1023 = arith.constant 0 : index
      %get3A_1024 = vector.load %arg5[%get3A_1022, %get3A_1023] : memref<16384x64xf32, #tpu.memory_space<vmem>>, vector<1x64xf32>
      %get3A_1025 = arith.constant 0 : index
      %get3A_1026 = arith.index_cast %scan3A_1018 : i32 to index
      %get3A_1027 = arith.constant 0 : index
      %get3A_1028 = vector.load %arg3[%get3A_1025, %get3A_1026, %get3A_1027] : memref<1x512x64xf32, #tpu.memory_space<vmem>>, vector<1x1x64xf32>
      %get3A_1029 = vector.shape_cast %get3A_1028 : vector<1x1x64xf32> to vector<1x64xf32>
      %add3A_1030 = arith.addf %get3A_1024, %get3A_1029 : vector<1x64xf32>
      %swap3A_1031 = arith.index_cast %get3A_1021 : i32 to index
      %swap3A_1032 = arith.constant 0 : index
      %swap3A_1033 = vector.load %arg5[%swap3A_1031, %swap3A_1032] : memref<16384x64xf32, #tpu.memory_space<vmem>>, vector<1x64xf32>
      tpu.vector_store %arg5[%swap3A_1031, %swap3A_1032], %add3A_1030 {strides = array<i32>} : memref<16384x64xf32, #tpu.memory_space<vmem>>, vector<1x64xf32>,
      %scan3A_1034 = arith.constant 7 : i32
      %scan3A_1035 = arith.addi %scan3A_917, %scan3A_1034 : i32
      %get3A_1036 = arith.index_cast %arg0 : i32 to index
      %get3A_1037 = arith.index_cast %scan3A_1035 : i32 to index
      %get3A_1038 = memref.load %arg1[%get3A_1036, %get3A_1037] : memref<16x512xi32, #tpu.memory_space<smem>>
      %get3A_1039 = arith.index_cast %get3A_1038 : i32 to index
      %get3A_1040 = arith.constant 0 : index
      %get3A_1041 = vector.load %arg5[%get3A_1039, %get3A_1040] : memref<16384x64xf32, #tpu.memory_space<vmem>>, vector<1x64xf32>
      %get3A_1042 = arith.constant 0 : index
      %get3A_1043 = arith.index_cast %scan3A_1035 : i32 to index
      %get3A_1044 = arith.constant 0 : index
      %get3A_1045 = vector.load %arg3[%get3A_1042, %get3A_1043, %get3A_1044] : memref<1x512x64xf32, #tpu.memory_space<vmem>>, vector<1x1x64xf32>
      %get3A_1046 = vector.shape_cast %get3A_1045 : vector<1x1x64xf32> to vector<1x64xf32>
      %add3A_1047 = arith.addf %get3A_1041, %get3A_1046 : vector<1x64xf32>
      %swap3A_1048 = arith.index_cast %get3A_1038 : i32 to index
      %swap3A_1049 = arith.constant 0 : index
      %swap3A_1050 = vector.load %arg5[%swap3A_1048, %swap3A_1049] : memref<16384x64xf32, #tpu.memory_space<vmem>>, vector<1x64xf32>
      tpu.vector_store %arg5[%swap3A_1048, %swap3A_1049], %add3A_1047 {strides = array<i32>} : memref<16384x64xf32, #tpu.memory_space<vmem>>, vector<1x64xf32>,
    }
    %scan3A_903 = arith.constant 512 : i32
    %get3A_904 = arith.constant 0 : index
    %get3A_905 = arith.constant 0 : index
    %get3A_906 = vector.load %arg5[%get3A_904, %get3A_905] : memref<16384x64xf32, #tpu.memory_space<vmem>>, vector<16384x64xf32>
    %max3A = arith.constant 0.000000e+00 : f32
    %max3A_907 = vector.broadcast %max3A : f32 to vector<16384x64xf32>
    %max3A_908 = arith.maximumf %get3A_906, %max3A_907 : vector<16384x64xf32>
    %swap3A_909 = arith.constant 0 : index
    %swap3A_910 = arith.constant 0 : index
    %swap3A_911 = vector.load %arg5[%swap3A_909, %swap3A_910] : memref<16384x64xf32, #tpu.memory_space<vmem>>, vector<16384x64xf32>
    tpu.vector_store %arg5[%swap3A_909, %swap3A_910], %max3A_908 {strides = array<i32>} : memref<16384x64xf32, #tpu.memory_space<vmem>>, vector<16384x64xf32>,
    %reduce_sum3A = arith.constant dense<0.000000e+00> : vector<64xf32>
    %reduce_sum3A_912 = vector.multi_reduction <add>, %max3A_908, %reduce_sum3A [0] : vector<16384x64xf32> to vector<64xf32>
    %reshape3A = vector.shape_cast %reduce_sum3A_912 : vector<64xf32> to vector<1x1x64xf32>
    %swap3A_913 = arith.constant 0 : index
    %swap3A_914 = arith.constant 0 : index
    %swap3A_915 = arith.constant 0 : index
    %swap3A_916 = vector.load %arg6[%swap3A_913, %swap3A_914, %swap3A_915] : memref<1x1x64xf32, #tpu.memory_space<vmem>>, vector<1x1x64xf32>
    tpu.vector_store %arg6[%swap3A_913, %swap3A_914, %swap3A_915], %reshape3A {strides = array<i32>} : memref<1x1x64xf32, #tpu.memory_space<vmem>>, vector<1x1x64xf32>,
    return
  }
  func.func @transform_0(%arg0: i32, %arg1: memref<16x512xi32, #tpu.memory_space<smem>>) -> (i32, i32, i32) {
    %c0_i32 = arith.constant 0 : i32
    %c0_i32_0 = arith.constant 0 : i32
    %c0_i32_1 = arith.constant 0 : i32
    return %arg0, %c0_i32, %c0_i32_0 : i32, i32, i32
  }
  func.func @transform_1(%arg0: i32, %arg1: memref<16x512xi32, #tpu.memory_space<smem>>) -> (i32, i32, i32) {
    %c0_i32 = arith.constant 0 : i32
    %c0_i32_0 = arith.constant 0 : i32
    %c0_i32_1 = arith.constant 0 : i32
    return %arg0, %c0_i32, %c0_i32_0 : i32, i32, i32
  }
  func.func @transform_2(%arg0: i32, %arg1: memref<16x512xi32, #tpu.memory_space<smem>>) -> (i32, i32) {
    %c0_i32 = arith.constant 0 : i32
    %c0_i32_0 = arith.constant 0 : i32
    %c0_i32_1 = arith.constant 0 : i32
    return %c0_i32, %c0_i32_0 : i32, i32
  }
  func.func @transform_3(%arg0: i32, %arg1: memref<16x512xi32, #tpu.memory_space<smem>>) -> (i32, i32) {
    %c0_i32 = arith.constant 0 : i32
    %c0_i32_0 = arith.constant 0 : i32
    return %arg0, %c0_i32 : i32, i32
  }
  func.func @transform_4(%arg0: i32, %arg1: memref<16x512xi32, #tpu.memory_space<smem>>) -> (i32, i32, i32) {
    %c0_i32 = arith.constant 0 : i32
    %c0_i32_0 = arith.constant 0 : i32
    %c0_i32_1 = arith.constant 0 : i32
    return %arg0, %c0_i32, %c0_i32_0 : i32, i32, i32
  }
}

module attributes {stable_mosaic.version = 14 : i64} {
  func.func @_entity_kernel(%arg0: i32, %arg1: memref<16xi32, #tpu.memory_space<smem>>, %arg2: memref<1x512x128xf32, #tpu.memory_space<vmem>>, %arg3: memref<128x256xf32, #tpu.memory_space<vmem>>, %arg4: memref<256x32xf32, #tpu.memory_space<vmem>>, %arg5: memref<32x64xf32, #tpu.memory_space<vmem>>, %arg6: memref<1x512x256xf32, #tpu.memory_space<vmem>>, %arg7: memref<1x1x256xf32, #tpu.memory_space<vmem>>, %arg8: memref<1x512x64xf32, #tpu.memory_space<vmem>>) attributes {dimension_semantics = [#tpu.dimension_semantics<arbitrary>], iteration_bounds = array<i64: 16>, scalar_prefetch = 1 : i64, scratch_operands = 0 : i64, tpu.core_type = #tpu.core_type<tc>, window_params = [{transform_indices = @transform_0, window_bounds = array<i64: 1, 512, 128>}, {pipeline_mode = #tpu.pipeline_mode<synchronous>, transform_indices = @transform_1, window_bounds = array<i64: 128, 256>}, {pipeline_mode = #tpu.pipeline_mode<synchronous>, transform_indices = @transform_2, window_bounds = array<i64: 256, 32>}, {pipeline_mode = #tpu.pipeline_mode<synchronous>, transform_indices = @transform_3, window_bounds = array<i64: 32, 64>}, {transform_indices = @transform_4, window_bounds = array<i64: 1, 512, 256>}, {transform_indices = @transform_5, window_bounds = array<i64: 1, 1, 256>}, {transform_indices = @transform_6, window_bounds = array<i64: 1, 512, 64>}]} {
    %get3A = arith.constant 0 : index
    %get3A_0 = arith.constant 0 : index
    %get3A_1 = arith.constant 0 : index
    %get3A_2 = vector.load %arg2[%get3A, %get3A_0, %get3A_1] : memref<1x512x128xf32, #tpu.memory_space<vmem>>, vector<1x512x128xf32>
    %get3A_3 = vector.shape_cast %get3A_2 : vector<1x512x128xf32> to vector<512x128xf32>
    %get3A_4 = arith.constant 0 : index
    %get3A_5 = arith.constant 0 : index
    %get3A_6 = vector.load %arg3[%get3A_4, %get3A_5] : memref<128x256xf32, #tpu.memory_space<vmem>>, vector<128x256xf32>
    %dot_general3A = arith.constant dense<0.000000e+00> : vector<512x256xf32>
    %dot_general3A_7 = tpu.matmul %get3A_3, %get3A_6, %dot_general3A {dimension_numbers = #tpu.dot_dimension_numbers<[1], [0], [0], [1], [0, 0, 1, 1], [], []>, transpose_lhs_hint = false} : vector<512x128xf32>, vector<128x256xf32>, vector<512x256xf32> -> vector<512x256xf32>
    %max3A = arith.constant 0.000000e+00 : f32
    %max3A_8 = vector.broadcast %max3A : f32 to vector<512x256xf32>
    %max3A_9 = arith.maximumf %dot_general3A_7, %max3A_8 : vector<512x256xf32>
    %swap3A = arith.constant 0 : index
    %swap3A_10 = arith.constant 0 : index
    %swap3A_11 = arith.constant 0 : index
    %swap3A_12 = vector.load %arg6[%swap3A, %swap3A_10, %swap3A_11] : memref<1x512x256xf32, #tpu.memory_space<vmem>>, vector<1x512x256xf32>
    %swap3A_13 = vector.shape_cast %swap3A_12 : vector<1x512x256xf32> to vector<512x256xf32>
    %swap3A_14 = vector.shape_cast %max3A_9 : vector<512x256xf32> to vector<1x512x256xf32>
    tpu.vector_store %arg6[%swap3A, %swap3A_10, %swap3A_11], %swap3A_14 {strides = array<i32>} : memref<1x512x256xf32, #tpu.memory_space<vmem>>, vector<1x512x256xf32>,
    %get3A_15 = arith.index_cast %arg0 : i32 to index
    %get3A_16 = memref.load %arg1[%get3A_15] : memref<16xi32, #tpu.memory_space<smem>>
    %iota3A = tpu.iota {dimensions = array<i32: 0>} : vector<512x1xi32>
    %lt3A = vector.broadcast %get3A_16 : i32 to vector<512x1xi32>
    %lt3A_17 = arith.cmpi slt, %iota3A, %lt3A : vector<512x1xi32>
    %convert_element_type3A = arith.extui %lt3A_17 : vector<512x1xi1> to vector<512x1xi32>
    %convert_element_type3A_18 = arith.sitofp %convert_element_type3A : vector<512x1xi32> to vector<512x1xf32>
    %max3A_19 = arith.constant 1 : i32
    %max3A_20 = arith.maxsi %get3A_16, %max3A_19 : i32
    %convert_element_type3A_21 = arith.sitofp %max3A_20 : i32 to f32
    %mul3A = vector.broadcast %convert_element_type3A_18 : vector<512x1xf32> to vector<512x256xf32>
    %mul3A_22 = arith.mulf %max3A_9, %mul3A : vector<512x256xf32>
    %reduce_sum3A = arith.constant dense<0.000000e+00> : vector<256xf32>
    %reduce_sum3A_23 = vector.multi_reduction <add>, %mul3A_22, %reduce_sum3A [0] : vector<512x256xf32> to vector<256xf32>
    %div3A = vector.broadcast %convert_element_type3A_21 : f32 to vector<256xf32>
    %div3A_24 = arith.divf %reduce_sum3A_23, %div3A : vector<256xf32>
    %swap3A_25 = arith.constant 0 : index
    %swap3A_26 = arith.constant 0 : index
    %swap3A_27 = arith.constant 0 : index
    %swap3A_28 = vector.load %arg7[%swap3A_25, %swap3A_26, %swap3A_27] : memref<1x1x256xf32, #tpu.memory_space<vmem>>, vector<1x1x256xf32>
    %swap3A_29 = vector.shape_cast %swap3A_28 : vector<1x1x256xf32> to vector<256xf32>
    %swap3A_30 = vector.shape_cast %div3A_24 : vector<256xf32> to vector<1x1x256xf32>
    tpu.vector_store %arg7[%swap3A_25, %swap3A_26, %swap3A_27], %swap3A_30 {strides = array<i32>} : memref<1x1x256xf32, #tpu.memory_space<vmem>>, vector<1x1x256xf32>,
    %get3A_31 = arith.constant 0 : index
    %get3A_32 = arith.constant 0 : index
    %get3A_33 = vector.load %arg4[%get3A_31, %get3A_32] : memref<256x32xf32, #tpu.memory_space<vmem>>, vector<256x32xf32>
    %dot_general3A_34 = arith.constant dense<0.000000e+00> : vector<512x32xf32>
    %dot_general3A_35 = tpu.matmul %max3A_9, %get3A_33, %dot_general3A_34 {dimension_numbers = #tpu.dot_dimension_numbers<[1], [0], [0], [1], [0, 0, 1, 1], [], []>, transpose_lhs_hint = false} : vector<512x256xf32>, vector<256x32xf32>, vector<512x32xf32> -> vector<512x32xf32>
    %max3A_36 = arith.constant 0.000000e+00 : f32
    %max3A_37 = vector.broadcast %max3A_36 : f32 to vector<512x32xf32>
    %max3A_38 = arith.maximumf %dot_general3A_35, %max3A_37 : vector<512x32xf32>
    %mul3A_39 = vector.broadcast %convert_element_type3A_18 : vector<512x1xf32> to vector<512x32xf32>
    %mul3A_40 = arith.mulf %max3A_38, %mul3A_39 : vector<512x32xf32>
    %get3A_41 = arith.constant 0 : index
    %get3A_42 = arith.constant 0 : index
    %get3A_43 = vector.load %arg5[%get3A_41, %get3A_42] : memref<32x64xf32, #tpu.memory_space<vmem>>, vector<32x64xf32>
    %dot_general3A_44 = arith.constant dense<0.000000e+00> : vector<512x64xf32>
    %dot_general3A_45 = tpu.matmul %mul3A_40, %get3A_43, %dot_general3A_44 {dimension_numbers = #tpu.dot_dimension_numbers<[1], [0], [0], [1], [0, 0, 1, 1], [], []>, transpose_lhs_hint = false} : vector<512x32xf32>, vector<32x64xf32>, vector<512x64xf32> -> vector<512x64xf32>
    %swap3A_46 = arith.constant 0 : index
    %swap3A_47 = arith.constant 0 : index
    %swap3A_48 = arith.constant 0 : index
    %swap3A_49 = vector.load %arg8[%swap3A_46, %swap3A_47, %swap3A_48] : memref<1x512x64xf32, #tpu.memory_space<vmem>>, vector<1x512x64xf32>
    %swap3A_50 = vector.shape_cast %swap3A_49 : vector<1x512x64xf32> to vector<512x64xf32>
    %swap3A_51 = vector.shape_cast %dot_general3A_45 : vector<512x64xf32> to vector<1x512x64xf32>
    tpu.vector_store %arg8[%swap3A_46, %swap3A_47, %swap3A_48], %swap3A_51 {strides = array<i32>} : memref<1x512x64xf32, #tpu.memory_space<vmem>>, vector<1x512x64xf32>,
    return
  }
  func.func @transform_0(%arg0: i32, %arg1: memref<16xi32, #tpu.memory_space<smem>>) -> (i32, i32, i32) {
    %c0_i32 = arith.constant 0 : i32
    %c0_i32_0 = arith.constant 0 : i32
    %c0_i32_1 = arith.constant 0 : i32
    return %arg0, %c0_i32, %c0_i32_0 : i32, i32, i32
  }
  func.func @transform_1(%arg0: i32, %arg1: memref<16xi32, #tpu.memory_space<smem>>) -> (i32, i32) {
    %c0_i32 = arith.constant 0 : i32
    %c0_i32_0 = arith.constant 0 : i32
    %c0_i32_1 = arith.constant 0 : i32
    return %c0_i32, %c0_i32_0 : i32, i32
  }
  func.func @transform_2(%arg0: i32, %arg1: memref<16xi32, #tpu.memory_space<smem>>) -> (i32, i32) {
    %c0_i32 = arith.constant 0 : i32
    %c0_i32_0 = arith.constant 0 : i32
    %c0_i32_1 = arith.constant 0 : i32
    return %c0_i32, %c0_i32_0 : i32, i32
  }
  func.func @transform_3(%arg0: i32, %arg1: memref<16xi32, #tpu.memory_space<smem>>) -> (i32, i32) {
    %c0_i32 = arith.constant 0 : i32
    %c0_i32_0 = arith.constant 0 : i32
    %c0_i32_1 = arith.constant 0 : i32
    return %c0_i32, %c0_i32_0 : i32, i32
  }
  func.func @transform_4(%arg0: i32, %arg1: memref<16xi32, #tpu.memory_space<smem>>) -> (i32, i32, i32) {
    %c0_i32 = arith.constant 0 : i32
    %c0_i32_0 = arith.constant 0 : i32
    %c0_i32_1 = arith.constant 0 : i32
    return %arg0, %c0_i32, %c0_i32_0 : i32, i32, i32
  }
  func.func @transform_5(%arg0: i32, %arg1: memref<16xi32, #tpu.memory_space<smem>>) -> (i32, i32, i32) {
    %c0_i32 = arith.constant 0 : i32
    %c0_i32_0 = arith.constant 0 : i32
    %c0_i32_1 = arith.constant 0 : i32
    return %arg0, %c0_i32, %c0_i32_0 : i32, i32, i32
  }
  func.func @transform_6(%arg0: i32, %arg1: memref<16xi32, #tpu.memory_space<smem>>) -> (i32, i32, i32) {
    %c0_i32 = arith.constant 0 : i32
    %c0_i32_0 = arith.constant 0 : i32
    %c0_i32_1 = arith.constant 0 : i32
    return %arg0, %c0_i32, %c0_i32_0 : i32, i32, i32
  }
}

module attributes {stable_mosaic.version = 14 : i64} {
  func.func @_head_kernel(%arg0: memref<16x256xf32, #tpu.memory_space<vmem>>, %arg1: memref<256x256xf32, #tpu.memory_space<vmem>>, %arg2: memref<256x128xf32, #tpu.memory_space<vmem>>, %arg3: memref<256x64xf32, #tpu.memory_space<vmem>>, %arg4: memref<16x256xf32, #tpu.memory_space<vmem>>, %arg5: memref<256x256xf32, #tpu.memory_space<vmem>>, %arg6: memref<16x64xf32, #tpu.memory_space<vmem>>, %arg7: memref<64x256xf32, #tpu.memory_space<vmem>>, %arg8: memref<16x768xf32, #tpu.memory_space<vmem>>, %arg9: memref<16x128xf32, #tpu.memory_space<vmem>>, %arg10: memref<16x64xf32, #tpu.memory_space<vmem>>) attributes {dimension_semantics = [], scalar_prefetch = 0 : i64, scratch_operands = 0 : i64, tpu.core_type = #tpu.core_type<tc>} {
    %get3A = arith.constant 0 : index
    %get3A_0 = arith.constant 0 : index
    %get3A_1 = vector.load %arg0[%get3A, %get3A_0] : memref<16x256xf32, #tpu.memory_space<vmem>>, vector<16x256xf32>
    %get3A_2 = arith.constant 0 : index
    %get3A_3 = arith.constant 0 : index
    %get3A_4 = vector.load %arg1[%get3A_2, %get3A_3] : memref<256x256xf32, #tpu.memory_space<vmem>>, vector<256x256xf32>
    %dot_general3A = arith.constant dense<0.000000e+00> : vector<16x256xf32>
    %dot_general3A_5 = tpu.matmul %get3A_1, %get3A_4, %dot_general3A {dimension_numbers = #tpu.dot_dimension_numbers<[1], [0], [0], [1], [0, 0, 1, 1], [], []>, transpose_lhs_hint = false} : vector<16x256xf32>, vector<256x256xf32>, vector<16x256xf32> -> vector<16x256xf32>
    %max3A = arith.constant 0.000000e+00 : f32
    %max3A_6 = vector.broadcast %max3A : f32 to vector<16x256xf32>
    %max3A_7 = arith.maximumf %dot_general3A_5, %max3A_6 : vector<16x256xf32>
    %get3A_8 = arith.constant 0 : index
    %get3A_9 = arith.constant 0 : index
    %get3A_10 = vector.load %arg2[%get3A_8, %get3A_9] : memref<256x128xf32, #tpu.memory_space<vmem>>, vector<256x128xf32>
    %dot_general3A_11 = arith.constant dense<0.000000e+00> : vector<16x128xf32>
    %dot_general3A_12 = tpu.matmul %max3A_7, %get3A_10, %dot_general3A_11 {dimension_numbers = #tpu.dot_dimension_numbers<[1], [0], [0], [1], [0, 0, 1, 1], [], []>, transpose_lhs_hint = false} : vector<16x256xf32>, vector<256x128xf32>, vector<16x128xf32> -> vector<16x128xf32>
    %max3A_13 = arith.constant 0.000000e+00 : f32
    %max3A_14 = vector.broadcast %max3A_13 : f32 to vector<16x128xf32>
    %max3A_15 = arith.maximumf %dot_general3A_12, %max3A_14 : vector<16x128xf32>
    %swap3A = arith.constant 0 : index
    %swap3A_16 = arith.constant 0 : index
    %swap3A_17 = vector.load %arg9[%swap3A, %swap3A_16] : memref<16x128xf32, #tpu.memory_space<vmem>>, vector<16x128xf32>
    tpu.vector_store %arg9[%swap3A, %swap3A_16], %max3A_15 {strides = array<i32>} : memref<16x128xf32, #tpu.memory_space<vmem>>, vector<16x128xf32>,
    %get3A_18 = arith.constant 0 : index
    %get3A_19 = arith.constant 0 : index
    %get3A_20 = vector.load %arg3[%get3A_18, %get3A_19] : memref<256x64xf32, #tpu.memory_space<vmem>>, vector<256x64xf32>
    %dot_general3A_21 = arith.constant dense<0.000000e+00> : vector<16x64xf32>
    %dot_general3A_22 = tpu.matmul %max3A_7, %get3A_20, %dot_general3A_21 {dimension_numbers = #tpu.dot_dimension_numbers<[1], [0], [0], [1], [0, 0, 1, 1], [], []>, transpose_lhs_hint = false} : vector<16x256xf32>, vector<256x64xf32>, vector<16x64xf32> -> vector<16x64xf32>
    %max3A_23 = arith.constant 0.000000e+00 : f32
    %max3A_24 = vector.broadcast %max3A_23 : f32 to vector<16x64xf32>
    %max3A_25 = arith.maximumf %dot_general3A_22, %max3A_24 : vector<16x64xf32>
    %swap3A_26 = arith.constant 0 : index
    %swap3A_27 = arith.constant 0 : index
    %swap3A_28 = vector.load %arg10[%swap3A_26, %swap3A_27] : memref<16x64xf32, #tpu.memory_space<vmem>>, vector<16x64xf32>
    tpu.vector_store %arg10[%swap3A_26, %swap3A_27], %max3A_25 {strides = array<i32>} : memref<16x64xf32, #tpu.memory_space<vmem>>, vector<16x64xf32>,
    %get3A_29 = arith.constant 0 : index
    %get3A_30 = arith.constant 0 : index
    %get3A_31 = vector.load %arg4[%get3A_29, %get3A_30] : memref<16x256xf32, #tpu.memory_space<vmem>>, vector<16x256xf32>
    %get3A_32 = arith.constant 0 : index
    %get3A_33 = arith.constant 0 : index
    %get3A_34 = vector.load %arg5[%get3A_32, %get3A_33] : memref<256x256xf32, #tpu.memory_space<vmem>>, vector<256x256xf32>
    %dot_general3A_35 = arith.constant dense<0.000000e+00> : vector<16x256xf32>
    %dot_general3A_36 = tpu.matmul %get3A_31, %get3A_34, %dot_general3A_35 {dimension_numbers = #tpu.dot_dimension_numbers<[1], [0], [0], [1], [0, 0, 1, 1], [], []>, transpose_lhs_hint = false} : vector<16x256xf32>, vector<256x256xf32>, vector<16x256xf32> -> vector<16x256xf32>
    %max3A_37 = arith.constant 0.000000e+00 : f32
    %max3A_38 = vector.broadcast %max3A_37 : f32 to vector<16x256xf32>
    %max3A_39 = arith.maximumf %dot_general3A_36, %max3A_38 : vector<16x256xf32>
    %get3A_40 = arith.constant 0 : index
    %get3A_41 = arith.constant 0 : index
    %get3A_42 = vector.load %arg6[%get3A_40, %get3A_41] : memref<16x64xf32, #tpu.memory_space<vmem>>, vector<16x64xf32>
    %div3A = arith.constant 1.638400e+04 : f32
    %div3A_43 = vector.broadcast %div3A : f32 to vector<16x64xf32>
    %div3A_44 = arith.divf %get3A_42, %div3A_43 : vector<16x64xf32>
    %get3A_45 = arith.constant 0 : index
    %get3A_46 = arith.constant 0 : index
    %get3A_47 = vector.load %arg7[%get3A_45, %get3A_46] : memref<64x256xf32, #tpu.memory_space<vmem>>, vector<64x256xf32>
    %dot_general3A_48 = arith.constant dense<0.000000e+00> : vector<16x256xf32>
    %dot_general3A_49 = tpu.matmul %div3A_44, %get3A_47, %dot_general3A_48 {dimension_numbers = #tpu.dot_dimension_numbers<[1], [0], [0], [1], [0, 0, 1, 1], [], []>, transpose_lhs_hint = false} : vector<16x64xf32>, vector<64x256xf32>, vector<16x256xf32> -> vector<16x256xf32>
    %max3A_50 = arith.constant 0.000000e+00 : f32
    %max3A_51 = vector.broadcast %max3A_50 : f32 to vector<16x256xf32>
    %max3A_52 = arith.maximumf %dot_general3A_49, %max3A_51 : vector<16x256xf32>
    %swap3A_53 = arith.constant 0 : index
    %swap3A_54 = arith.constant 0 : index
    %swap3A_55 = vector.load %arg8[%swap3A_53, %swap3A_54] : memref<16x768xf32, #tpu.memory_space<vmem>>, vector<16x256xf32>
    tpu.vector_store %arg8[%swap3A_53, %swap3A_54], %max3A_7 {strides = array<i32>} : memref<16x768xf32, #tpu.memory_space<vmem>>, vector<16x256xf32>,
    %swap3A_56 = arith.constant 0 : index
    %swap3A_57 = arith.constant 256 : index
    %swap3A_58 = vector.load %arg8[%swap3A_56, %swap3A_57] : memref<16x768xf32, #tpu.memory_space<vmem>>, vector<16x256xf32>
    tpu.vector_store %arg8[%swap3A_56, %swap3A_57], %max3A_39 {strides = array<i32>} : memref<16x768xf32, #tpu.memory_space<vmem>>, vector<16x256xf32>,
    %swap3A_59 = arith.constant 0 : index
    %swap3A_60 = arith.constant 512 : index
    %swap3A_61 = vector.load %arg8[%swap3A_59, %swap3A_60] : memref<16x768xf32, #tpu.memory_space<vmem>>, vector<16x256xf32>
    tpu.vector_store %arg8[%swap3A_59, %swap3A_60], %max3A_52 {strides = array<i32>} : memref<16x768xf32, #tpu.memory_space<vmem>>, vector<16x256xf32>,
    return
  }
}

</mosaic_0001>

<sc_bundles>
// kernel: sparse-core-data-format-call.cloned.1.call-start
scs
called_computation_lowered:
.L_overlay_start_0:
0x0: {  	s2 =	sld [smem:$0x3FD9]  }
0x1: {  	s3 =	sld [smem:$0x3FFE];
	_ =	sdelay $0x1  }
0x2: {  	s1 =	srdreg.scid  }
0x3: {  	s0 =	sand.u32 $0x1, s1  }
0x4: {  	s15 =	sshll.u32 s0, $0xA;
	s2 =	sadd.s32 s3, s2  }
0x5: {  	s2 =	sadd.s32 s2, s15  }
0x6: {  	[smem:$0x3FBA] =	sst s2  }
0x7: {  	_ = 	snop  }
0x8: {  	s2 =	sld [smem:$0x3FD0];
	_ =	sdelay $0x2  }
0x9: {  	s16 =	simm.s32 $0xA;
	s4 =	simm.s32 $0x10  }
0xa: {  	[smem:s4], [sflag:s16] =	dma.local [hbm:s2], $0x1  }
0xb: {  	_ =	swait.eq [sflag:s16], $0x1  }
0xc: {  	[sflag:s16] =	ssyncset.done $0x0  }
0xd: {  	[sflag:s16] =	ssyncadd.s32 $0xFFFFFFFF  }
0xe: {  	s17 =	sld [smem:$0x14];
	(tm) =	ssettm $0x1  }
0xf: {  	s18 =	sld [smem:$0x3FFB];
	_ =	sdelay $0x3  }
0x10: {  	_ =	strace s18  }
0x11: {  	s3 =	sld [smem:$0x3FFC];
	_ =	sdelay $0x3  }
0x12: {  	_ =	strace s3  }
0x13: {  	s3 =	sld [smem:$0x3FFD];
	_ =	sdelay $0x3  }
0x14: {  	_ =	strace s3  }
0x15: {  	_ =	strace $0x8FFFFFFF  }
0x16: {  	s19 =	sld [smem:$0x3FDB];
	_ =	sdelay $0x1  }
0x17: {  	s20 =	simm.s32 $_scs_section_size  }
0x18: {  	s5 =	simm.s32 $_size__tile_overlayer_lowered;
	s6 =	simm.s32 $_tile_overlayer_lowered  }
0x19: {  	s23 =	simm.s32 $0x1BFF;
	s22 =	sshll.u32 s6, $0x1;
	s3 =	sadd.s32 s20, s19  }
0x1a: {  	s7 =	simm.s32 $0x0;
	s21 =	sshll.u32 s5, $0x1;
	s5 =	sadd.s32 s22, s3  }
0x1b: {  	[timem:s7], [sflag:s23] =	dma.local [hbm:s5], s21  }
0x1c: {  	_ =	swait.ge [sflag:s23], s21  }
0x1d: {  	s4 =	ssub.s32 $0x0, s21;
	[sflag:s23] =	ssyncset.done $0x0  }
0x1e: {  	[sflag:s23] =	ssyncadd.s32 s4;
	_ =	sdelay $0x1  }
0x1f: {  	s24 =	simm.s32 $0x1B8B  }
0x20: {  	_ =	swait.ge [sflag:s24], $0x1  }
0x21: {  	[sflag:s24] =	ssyncset.done $0x0  }
0x22: {  	s26 =	simm.s32 $0x1B8E;
	s25 =	sld [smem:$0x3FFE];
	[sflag:s24] =	ssyncadd.s32 $0xFFFFFFFF  }
0x23: {  	s27 =	simm.s32 $execute0_lowered;
	[smem:$0x3FD2] =	sst s26  }
0x24: {  	s5 =	sshll.u32 s27, $0x1;
	_ =	strace $0x80000046;
	[dreg:$0x1] =	wrdreg $0xFFFFFFFF  }
0x25: {  	s28 =	simm.s32 $_size_execute0_lowered;
	s3 =	sadd.s32 s3, s5;
	[dreg:$0x0] =	wrdreg $0x0  }
0x26: {  	s5 =	sshll.u32 s28, $0x1;
	[dreg:$0x2] =	wrdreg s3  }
0x27: {  	[dreg:$0x3] =	wrdreg s5  }
0x28: {  	[dreg:$0x4] =	wrdreg $0xC0  }
0x29: {  	_ =	task [dreg:s7], $0x5FFFF  }
0x2a: {  	[dreg:$0x1] =	wrdreg $0xFFFFFFFF  }
0x2b: {  	[dreg:$0x0] =	wrdreg $0x60  }
0x2c: {  	[dreg:$0x2] =	wrdreg s25  }
0x2d: {  	[dreg:$0x3] =	wrdreg s17  }
0x2e: {  	[dreg:$0x4] =	wrdreg $0x9  }
0x2f: {  	_ =	task.clear_ibuf [dreg:s7], $0x5FFFF;
	_ =	strace $0x90000046  }
0x30: {  	s29 =	simm.s32 $0x9;
	_ =	strace $0x80000048  }
0x31: {  	_ =	swait.ge [sflag:s29], $0x1  }
0x32: {  	[sflag:s29] =	ssyncadd.s32 $0xFFFFFFFF  }
0x33: {  	_ =	strace $0x90000048  }
0x34: {  	_ =	sfence  }
0x35: {  	s30 =	sld [smem:$0x0];
	_ =	sdelay $0x2  }
0x36: {  	s31 =	sshll.u32 s1, $0xD;
	s1 =	sshrl.u32 s1, $0x2  }
0x37: {  	s3 =	sand.u32 $0x4000, s31;
	s1 =	sadd.s32 s1, s30  }
0x38: {  	s0 =	sor.u32 s3, s0;
	s1 =	sshll.u32 s1, $0x11  }
0x39: {  	s0 =	sor.u32 s1, s0  }
0x3a: {  	s0 =	sadd.s32 $0x8F2B, s0  }
0x3b: {  	[sflag:s0] =	ssyncadd.remote.s32 $0x1  }
0x3c: {  	_ =	sfence.sel $0xFFFF  }
0x3d: {  	[dreg:$0x0] =	wrdreg $0xFFFFFFFF;
	(pc) =	sbr.abs _section_cstart, $3  }
0x3e: {  	[dreg:$0x1] =	wrdreg $0xFFFFFFFF  }
0x3f: {  	_ =	task.clear_ibuf [dreg:s7], $0x2FFFF;
	_ =	strace $0x9FFFFFFF  }
0x40: {  	(tm) =	ssettm $0x7FFFFFFF  }
0x41: {  	_ =	shalt  }
tec
execute0_lowered:
.L_overlay_start_1:
0x0: {  	(tag) =	ssettag $0x1  }
0x1: {  	s3 =	rddreg [dreg:$0x0]  }
0x2: {  	s0 =	srdreg.scid;
	s1 =	rddreg [dreg:$0x1]  }
0x3: {  	s5 =	simm.s32 $0x1;
	s7 =	simm.s32 $0x2;
	s8 =	simm.s32 $0x0  }
0x4: {  	p0 =	por $0x0, $0x0;
	s12 =	simm.s32 $0x0;
	s0 =	sshll.u32 s0, $0x1  }
0x5: {  	s13 =	simm.s32 $0x0;
	s10 =	stileid.u32;
	s2 =	sand.u32 $0x2, s0  }
.Ltmp0:
0x6: {  	s11 =	simm.s32 $0x0;
	s6 =	ssub.s32 $0x80, s2;
	(pc) =	sbr.rel .LBB1_1-.Ltmp0, $4  }
0x7: {  	s4 =	sadd.s32 $0x2600, s3;
	s0 =	rddreg [dreg:$0x2];
	s31 =	sshrl.u32 s6, $0x1  }
0x8: {  	_ =	strace $0x80000047;
	s6 =	sshrl.u32 s6, $0x2;
	s3 =	sand.u32 $0x1, s31  }
0x9: {  	[sflag:s5] =	ssyncpa.u1 $0x0;
	s9 =	smov.u32 s2;
	s6 =	sadd.s32 s6, s3  }
0xa: {  	[sflag:s7] =	ssyncpa.u1 $0x0;
	s3 =	stileid.u32;
	s7 =	sadd.s32 $0x1, s6  }
.LBB1_7:
0xb: {  	s14 =	sadd.s32 $0x4, s9  }
0xc: {  	s12 =	sadd.s32 $0x10, s10;
	s16 =	smov.u32 s10;
	p2 =	sgt.s32 s14, $0x7F  }
0xd: {  	s16 =	smov.u32 @p2 s12  }
0xe: {  	s14 =	smov.u32 @p2 s2;
	p2 =	sgt.s32 s16, $0xF  }
0xf: {  	s16 =	smov.u32 @p2 s3;
	p2 =	sne.s32 s11, s7  }
.Ltmp1:
0x10: {  	p1 =	slt.u32 s11, $0x2;
	(pc) =	sbr.rel @!p2 .LBB1_8-.Ltmp1, $4  }
0x11: {  	s15 =	simm.s32 @!p1 $0x2  }
0x12: {  	s13 =	smov.u32 s10;
	p0 =	por !p0, !p0;
	_ =	swait.ge @!p1 [sflag:s15], $0x4000  }
0x13: {  	s12 =	smov.u32 s9;
	[sflag:s15] =	ssyncset.done @!p1 $0x0;
	s9 =	smov.u32 s14  }
0x14: {  	s11 =	sadd.s32 $0x1, s11;
	[sflag:s15] =	ssyncadd.s32 @!p1 $0xFFFFC000;
	s10 =	smov.u32 s16  }
.LBB1_1:
0x15: {  	p1 =	sge.u32 s11, s6;
	s31 =	sadd.s32 $0xFFFFFFFF, s11  }
0x16: {  	s14 =	sxor.u32 @!p1 $0xFFFFFFFF, s11;
	s15 =	sshll.u32 @!p1 s10, $0x12;
	s16 =	sshll.u32 @!p1 s9, $0xB  }
0x17: {  	s17 =	simm.s32 @!p1 $0x80;
	s14 =	sshll.u32 @!p1 s14, $0xE;
	s15 =	sadd.s32 @!p1 s4, s15  }
0x18: {  	s14 =	sand.u32 @!p1 $0x4000, s14;
	s15 =	sadd.s32 @!p1 s16, s15;
	s16 =	simm.s32 @!p1 $0x40  }
0x19: {  	[tilespmem:s14], [sflag:$0x1] =	stream.strided.gather @!p1 [hbm4b:s15+s16], $0x4000, s17, s16, $0x38;
	[tilespmem:$0x10100] =	vst v63  }
0x1a: {  	p1 =	sge.u32 s31, s6  }
.Ltmp2:
0x1b: {  	_ = 	snop;
	(pc) =	sbr.rel @p1 .LBB1_7-.Ltmp2, $1  }
0x1c: {  	_ =	sdelay $0x3  }
0x1d: {  	s14 =	simm.s32 $0x1;
	s16 =	sand.u32 $0x1, s11  }
0x1e: {  	_ =	swait.ge [sflag:s5], $0x4000;
	s14 =	simm.s32 @!p0 $0x0;
	s16 =	smul.u32 $0x10200, s16  }
0x1f: {  	p2 =	por $0x1, $0x1;
	[sflag:s5] =	ssyncset.done $0x0;
	s15 =	smul.u32 $0x10200, s14  }
0x20: {  	s17 =	sshll.u32 s14, $0x10;
	[sflag:s5] =	ssyncadd.s32 $0xFFFFC000;
	s30 =	sshrl.u32 s16, $0x2  }
0x21: {  	s31 =	sshrl.u32 s17, $0x2;
	s17 =	simm.s32 $0x0;
	s15 =	sshrl.u32 s15, $0x2  }
0x22: {  	s14 =	sor.u32 $0x8000, s30;
	s16 =	sadd.s32 $0x20, s31;
	s15 =	sor.u32 $0x8000, s15  }
.LBB1_3:
0x23: {  	s18 =	sshll.u32 s17, $0xD  }
0x24: {  	s18 =	sand.u32 $0x3FFFE000, s18  }
0x25: {  	s20 =	sadd.s32 s18, s16  }
0x26: {  	s31 =	smul.u32 $0x8100, s17;
	v3 =	vld [tilespmem:s20+$0x10]  }
0x27: {  	v1 =	vld [tilespmem:s20+$0xFFFFFFF0]  }
0x28: {  	s17 =	sshra.s32 s31, $0x2;
	v0 =	vld [tilespmem:s20+$0x0]  }
0x29: {  	s17 =	sadd.s32 s17, s15;
	v2 =	vld [tilespmem:s20+$0xFFFFFFE0]  }
0x2a: {  	s18 =	sadd.s32 $0x0, s17  }
0x2b: {  	p1 =	por p2, p2;
	s19 =	simm.s32 $0x4;
	s20 =	sadd.s32 $0x40, s20;
	[tilespmem:s18+$0x1830 ss:$0x81] =	vst.msk $0xffff, v3  }
.LBB1_4:
0x2c: {  	v3 =	vld [tilespmem:s20+$0x10];
	p2 =	sne.s32 s19, $0x1FC;
	[tilespmem:s18+$0x810 ss:$0x81] =	vst.msk $0xffff, v1;
	s21 =	smov.u32 s19;
	s19 =	sadd.s32 $0x4, s19  }
.Ltmp3:
0x2d: {  	v1 =	vld [tilespmem:s20+$0xFFFFFFF0];
	[tilespmem:s18+$0x1020 ss:$0x81] =	vst.msk $0xffff, v0;
	(pc) =	sbr.rel @p2 .LBB1_4-.Ltmp3, $4  }
0x2e: {  	v0 =	vld [tilespmem:s20+$0x0];
	[tilespmem:s18+$0x0 ss:$0x81] =	vst.msk $0xffff, v2  }
0x2f: {  	s18 =	sshra.s32 s21, $0x2;
	v2 =	vld [tilespmem:s20+$0xFFFFFFE0]  }
0x30: {  	s18 =	sadd.s32 s18, s17  }
0x31: {  	s20 =	sadd.s32 $0x40, s20;
	[tilespmem:s18+$0x1830 ss:$0x81] =	vst.msk $0xffff, v3  }
.Ltmp4:
0x32: {  	(pc) =	sbr.rel @p1 .LBB1_3-.Ltmp4, $4  }
0x33: {  	_ = 	snop  }
0x34: {  	[tilespmem:s18+$0x810 ss:$0x81] =	vst.msk $0xffff, v1  }
0x35: {  	[tilespmem:s18+$0x1020 ss:$0x81] =	vst.msk $0xffff, v0  }
0x36: {  	s17 =	simm.s32 $0x1;
	p2 =	por $0x0, $0x0;
	[tilespmem:s18+$0x0 ss:$0x81] =	vst.msk $0xffff, v2  }
.Ltmp5:
0x37: {  	(pc) =	sbr.rel .LBB1_7-.Ltmp5, $4  }
0x38: {  	s13 =	sshll.u32 s13, $0x11  }
0x39: {  	s12 =	sshll.u32 s12, $0xA;
	s13 =	sadd.s32 s1, s13  }
0x3a: {  	s12 =	sadd.s32 s12, s13  }
0x3b: {  	[hbm4b:s12+s8] =	stream.linear.scatter [tilespmem:s14], [sflag:$0x2], $0x4000, $0x20;
	[tilespmem:$0x10100] =	vst v63  }
.LBB1_8:
0x3c: {  	_ =	sfence.sel $0x180000  }
0x3d: {  	s1 =	simm.s32 $0x1;
	[bflag:$0x0] =	sbarrier.arrive $0xFFFF  }
0x3e: {  	s31 =	simm.s32 $0x2;
	[sflag:s1] =	ssyncpa.u1 $0x1  }
0x3f: {  	[sflag:s31] =	ssyncpa.u1 $0x1  }
0x40: {  	p0 =	sne.s32 s3, $0x0;
	_ =	strace $0x90000047  }
0x41: {  	s0 =	sadd.s32 @!p0 $0x100000, s0;
	[bflag:$0x2] =	sbarrier.arrive $0xFFFF  }
0x42: {  	[sflag:s0] =	ssyncadd.tile.s32 @!p0 $0x1;
	_ =	shalt  }
.Lfunc_end1:
_tile_overlayer_lowered:
.L_overlay_start_2:
0x43: {  	(tag) =	ssettag $0x2  }
0x44: {  	s0 =	rddreg [dreg:$0x0];
	s2 =	stileid.u32  }
0x45: {  	s1 =	rddreg [dreg:$0x1];
	p0 =	sne.s32 s2, $0x0  }
0x46: {  	s3 =	rddreg [dreg:$0x2];
	[bflag:$0x3] =	sbarrier.arrive $0xFFFF;
	s2 =	simm.s32 @!p0 $0x1C01  }
0x47: {  	[timem:s3], [sflag:s2] =	dma.local @!p0 [hbm:s0], s1  }
0x48: {  	s0 =	simm.s32 @!p0 $0x1  }
0x49: {  	_ =	swait.ge @!p0 [sflag:s0], s1  }
0x4a: {  	s1 =	ssub.s32 @!p0 $0x0, s1;
	[sflag:s0] =	ssyncset.done @!p0 $0x0  }
0x4b: {  	[sflag:s0] =	ssyncadd.s32 @!p0 s1  }
0x4c: {  	[bflag:$0x3] =	sbarrier.arrive $0xFFFF  }
0x4d: {  	_ =	shalt  }

</sc_bundles>
